<compile_context>
chip_gen: v7x
topology: tpu7x:2x2x1
jax: 0.10.2.dev20260603
libtpu: 0.0.44.dev20260713+nightly
codegen_flags: <defaults>
</compile_context>

<pallas_src>
import functools

import jax
import jax.numpy as jnp
from jax import lax
from jax.experimental import pallas as pl
from jax.experimental.pallas import tpu as pltpu
from jax.experimental.pallas import tpu_sc as plsc

EMBED_DIM = 32
NC = 2
NS = 16
NW = NC * NS

ROW = 128
SUB = 8
CHUNK = ROW * SUB
NBUF = 3


@functools.partial(jax.jit, static_argnums=(2,))
def _gather(idx2d, table, total):
    per_tile = total // NW
    idx_rows = per_tile // ROW
    n_chunks = per_tile // CHUNK
    mesh = plsc.VectorSubcoreMesh(core_axis_name="c", subcore_axis_name="s")

    @functools.partial(
        pl.kernel,
        mesh=mesh,
        out_type=jax.ShapeDtypeStruct((total, 128), jnp.float32),
        scratch_types=[
            pltpu.VMEM((idx_rows, ROW), jnp.int32),
            [pltpu.VMEM((CHUNK, EMBED_DIM), jnp.float32) for _ in range(NBUF)],
            [pltpu.SemaphoreType.DMA for _ in range(NBUF)],
        ],
        compiler_params=pltpu.CompilerParams(use_tc_tiling_on_sc=False),
    )
    def body(idx_hbm, table_hbm, out_hbm, idx_v, rows, gsem):
        wid = lax.axis_index("s") * NC + lax.axis_index("c")
        base_row = wid * idx_rows

        pltpu.sync_copy(idx_hbm.at[pl.ds(base_row, idx_rows)], idx_v)

        def fire(n, p):
            for j in range(SUB):
                pltpu.async_copy(
                    table_hbm.at[idx_v.at[n * SUB + j]],
                    rows[p].at[pl.ds(j * ROW, ROW)],
                    gsem[p],
                )

        def out_slice(n):
            return out_hbm.at[
                pl.ds((base_row + n * SUB) * ROW, CHUNK), pl.ds(0, EMBED_DIM)
            ]

        def drain_and_writeback(n, p):
            pltpu.make_async_copy(out_slice(n), rows[p], gsem[p]).wait()
            pltpu.sync_copy(rows[p], out_slice(n))

        n_slots = n_chunks + 1
        n_iters = (n_slots + NBUF - 1) // NBUF

        def step(it, carry):
            for b in range(NBUF):
                k = it * NBUF + b

                @pl.when(k < n_chunks)
                def _():
                    fire(k, b)

                @pl.when(jnp.logical_and(k >= 1, k < n_slots))
                def _():
                    drain_and_writeback(k - 1, (b - 1) % NBUF)

            return carry

        lax.fori_loop(0, n_iters, step, 0)

    return body(idx2d, table)


def kernel(input, suffixed, pref, chrs, table):
    B, L = input.shape
    total = B * L
    idx2d = input.reshape(total // ROW, ROW).astype(jnp.int32)
    wide = _gather(idx2d, table, total)
    out = jax.lax.slice(wide, (0, 0), (total, EMBED_DIM))
    return out.reshape(B, L, EMBED_DIM)

# --- scband reference (transcript-rebuilt; emitter-appended) ---
"""Pipeline reference for scband-simple-embedder-66159676227953 (READ-ONLY COPY).

The authoritative reference and input builder live on the scoring server;
editing this copy changes nothing except your own understanding.
"""

import jax, jax.numpy as jnp
import numpy as np

VOCAB = 1000000
EMBED_DIM = 32
B = 4096
L = 200

def setup_inputs(seed: int = 0) -> dict:
    key = jax.random.key(seed)
    k1, k2, k3, k4, k5 = jax.random.split(key, 5)
    inp = jax.random.randint(k1, (B, L), 0, VOCAB, dtype=jnp.int64 if jax.config.jax_enable_x64 else jnp.int32)
    suffixed = jax.random.randint(k2, (B, L), 0, VOCAB, dtype=inp.dtype)
    pref = jax.random.randint(k3, (B, L), 0, VOCAB, dtype=inp.dtype)
    chrs = jax.random.randint(k4, (B, L), 0, VOCAB, dtype=inp.dtype)
    table = jax.random.normal(k5, (VOCAB, EMBED_DIM), dtype=jnp.float32)
    # padding_idx=0: PyTorch initializes the padding row to zeros
    table = table.at[0].set(0.0)
    return {"input": inp, "suffixed": suffixed, "pref": pref, "chrs": chrs, "table": table}

def reference(input, suffixed, pref, chrs, table):
    # forward unpacks the tuple but only uses the first element: self.embed(input)
    return jnp.take(table, input, axis=0)

if __name__ == "__main__":
    import jax
    _d = setup_inputs()
    print(jax.jit(kernel)(*tuple(_d.values())))

</pallas_src>

<mosaic_0001>
#map = affine_map<(d0, d1) -> (0, 0)>
module attributes {stable_mosaic.version = 14 : i64} {
  func.func @body(%arg0: i32, %arg1: i32, %arg2: memref<6400x128xi32, #tpu.memory_space<hbm>>, %arg3: memref<1000000x32xf32, #tpu.memory_space<hbm>>, %arg4: memref<819200x128xf32, #tpu.memory_space<hbm>>, %arg5: memref<200x128xi32, #tpu.memory_space<vmem>>, %arg6: memref<1024x32xf32, #tpu.memory_space<vmem>>, %arg7: memref<1024x32xf32, #tpu.memory_space<vmem>>, %arg8: memref<1024x32xf32, #tpu.memory_space<vmem>>, %arg9: memref<!tpu.dma_semaphore, #tpu.memory_space<semaphore_mem>>, %arg10: memref<!tpu.dma_semaphore, #tpu.memory_space<semaphore_mem>>, %arg11: memref<!tpu.dma_semaphore, #tpu.memory_space<semaphore_mem>>) attributes {dimension_semantics = [#tpu.dimension_semantics<core_parallel>, #tpu.dimension_semantics<subcore_parallel>], iteration_bounds = array<i64: 2, 16>, scalar_prefetch = 0 : i64, scratch_operands = 7 : i64, tpu.core_type = #tpu.core_type<sc_vector_subcore>, window_params = [{transform_indices = #map}, {transform_indices = #map}, {transform_indices = #map}]} {
    %mul3A = arith.constant 2 : i32
    %mul3A_0 = arith.muli %arg1, %mul3A : i32
    %add3A = arith.addi %mul3A_0, %arg0 : i32
    %mul3A_1 = arith.constant 200 : i32
    %mul3A_2 = arith.muli %add3A, %mul3A_1 : i32
    "tpu.region"() ({
      %run_scoped3A = tpu.sem_alloc : memref<!tpu.dma_semaphore, #tpu.memory_space<semaphore_mem>>
      %dma_start3A = arith.constant 0 : i32
      %dma_start3A_8 = tpu.memref_slice %arg2[%mul3A_2, %dma_start3A] : memref<6400x128xi32, #tpu.memory_space<hbm>> -> memref<200x128xi32, #tpu.memory_space<hbm>>
      %dma_start3A_9 = arith.constant 0 : i32
      %dma_start3A_10 = tpu.memref_slice %arg2[%mul3A_2, %dma_start3A_9] : memref<6400x128xi32, #tpu.memory_space<hbm>> -> memref<200x128xi32, #tpu.memory_space<hbm>>
      tpu.enqueue_dma source(%dma_start3A_10 : memref<200x128xi32, #tpu.memory_space<hbm>>) target(%arg5 : memref<200x128xi32, #tpu.memory_space<vmem>>) target_semaphore(%run_scoped3A : memref<!tpu.dma_semaphore, #tpu.memory_space<semaphore_mem>>)
      %dma_wait3A = arith.constant 0 : i32
      %dma_wait3A_11 = tpu.memref_slice %arg2[%mul3A_2, %dma_wait3A] : memref<6400x128xi32, #tpu.memory_space<hbm>> -> memref<200x128xi32, #tpu.memory_space<hbm>>
      %dma_wait3A_12 = arith.constant 0 : i32
      %dma_wait3A_13 = tpu.memref_slice %arg2[%mul3A_2, %dma_wait3A_12] : memref<6400x128xi32, #tpu.memory_space<hbm>> -> memref<200x128xi32, #tpu.memory_space<hbm>>
      tpu.wait_dma2 semaphore(%run_scoped3A : memref<!tpu.dma_semaphore, #tpu.memory_space<semaphore_mem>>) src(%dma_wait3A_13 : memref<200x128xi32, #tpu.memory_space<hbm>>) dst(%arg5 : memref<200x128xi32, #tpu.memory_space<vmem>>)
      tpu.yield
    }) : () -> ()
    %scan3A = arith.constant 0 : i32
    %scan3A_3 = arith.constant 0 : i32
    %scan3A_4 = arith.constant 9 : i32
    %scan3A_5 = arith.addi %scan3A_3, %scan3A_4 : i32
    %scan3A_6 = arith.constant 1 : i32
    scf.for %scan3A_8 = %scan3A_3 to %scan3A_5 step %scan3A_6  : i32 {
      %mul3A_9 = arith.constant 3 : i32
      %mul3A_10 = arith.muli %scan3A_8, %mul3A_9 : i32
      %add3A_11 = arith.constant 0 : i32
      %add3A_12 = arith.addi %mul3A_10, %add3A_11 : i32
      %lt3A = arith.constant 25 : i32
      %lt3A_13 = arith.cmpi slt, %add3A_12, %lt3A : i32
      %convert_element_type3A = arith.extui %lt3A_13 : i1 to i32
      %cond3A = arith.constant 0 : i32
      %cond3A_14 = arith.cmpi ne, %convert_element_type3A, %cond3A : i32
      scf.if %cond3A_14 {
        %mul3A_55 = arith.constant 8 : i32
        %mul3A_56 = arith.muli %add3A_12, %mul3A_55 : i32
        %add3A_57 = arith.constant 0 : i32
        %add3A_58 = arith.addi %mul3A_56, %add3A_57 : i32
        %dma_start3A = arith.constant 0 : i32
        %dma_start3A_59 = arith.constant 0 : i32
        %dma_start3A_60 = tpu.memref_slice %arg6[%dma_start3A, %dma_start3A_59] : memref<1024x32xf32, #tpu.memory_space<vmem>> -> memref<128x32xf32, #tpu.memory_space<vmem>>
        %dma_start3A_61 = arith.constant 0 : i32
        %dma_start3A_62 = tpu.memref_slice %arg5[%add3A_58, %dma_start3A_61] : memref<200x128xi32, #tpu.memory_space<vmem>> -> memref<1x128xi32, #tpu.memory_space<vmem>>
        %dma_start3A_63 = tpu.memref_squeeze %dma_start3A_62 : memref<1x128xi32, #tpu.memory_space<vmem>> -> memref<128xi32, #tpu.memory_space<vmem>>
        %dma_start3A_64 = arith.constant 0 : i32
        %dma_start3A_65 = arith.constant 0 : i32
        %dma_start3A_66 = tpu.memref_slice %arg3[%dma_start3A_64, %dma_start3A_65] : memref<1000000x32xf32, #tpu.memory_space<hbm>> -> memref<1000000x32xf32, #tpu.memory_space<hbm>>
        tpu.enqueue_indirect_dma source(%dma_start3A_66 : memref<1000000x32xf32, #tpu.memory_space<hbm>>) target(%dma_start3A_60 : memref<128x32xf32, #tpu.memory_space<vmem>>) offsets(%dma_start3A_63 : memref<128xi32, #tpu.memory_space<vmem>>) semaphore(%arg9 : memref<!tpu.dma_semaphore, #tpu.memory_space<semaphore_mem>>)
        %mul3A_67 = arith.constant 8 : i32
        %mul3A_68 = arith.muli %add3A_12, %mul3A_67 : i32
        %add3A_69 = arith.constant 1 : i32
        %add3A_70 = arith.addi %mul3A_68, %add3A_69 : i32
        %dma_start3A_71 = arith.constant 128 : i32
        %dma_start3A_72 = arith.constant 0 : i32
        %dma_start3A_73 = tpu.memref_slice %arg6[%dma_start3A_71, %dma_start3A_72] : memref<1024x32xf32, #tpu.memory_space<vmem>> -> memref<128x32xf32, #tpu.memory_space<vmem>>
        %dma_start3A_74 = arith.constant 0 : i32
        %dma_start3A_75 = tpu.memref_slice %arg5[%add3A_70, %dma_start3A_74] : memref<200x128xi32, #tpu.memory_space<vmem>> -> memref<1x128xi32, #tpu.memory_space<vmem>>
        %dma_start3A_76 = tpu.memref_squeeze %dma_start3A_75 : memref<1x128xi32, #tpu.memory_space<vmem>> -> memref<128xi32, #tpu.memory_space<vmem>>
        %dma_start3A_77 = arith.constant 0 : i32
        %dma_start3A_78 = arith.constant 0 : i32
        %dma_start3A_79 = tpu.memref_slice %arg3[%dma_start3A_77, %dma_start3A_78] : memref<1000000x32xf32, #tpu.memory_space<hbm>> -> memref<1000000x32xf32, #tpu.memory_space<hbm>>
        tpu.enqueue_indirect_dma source(%dma_start3A_79 : memref<1000000x32xf32, #tpu.memory_space<hbm>>) target(%dma_start3A_73 : memref<128x32xf32, #tpu.memory_space<vmem>>) offsets(%dma_start3A_76 : memref<128xi32, #tpu.memory_space<vmem>>) semaphore(%arg9 : memref<!tpu.dma_semaphore, #tpu.memory_space<semaphore_mem>>)
        %mul3A_80 = arith.constant 8 : i32
        %mul3A_81 = arith.muli %add3A_12, %mul3A_80 : i32
        %add3A_82 = arith.constant 2 : i32
        %add3A_83 = arith.addi %mul3A_81, %add3A_82 : i32
        %dma_start3A_84 = arith.constant 256 : i32
        %dma_start3A_85 = arith.constant 0 : i32
        %dma_start3A_86 = tpu.memref_slice %arg6[%dma_start3A_84, %dma_start3A_85] : memref<1024x32xf32, #tpu.memory_space<vmem>> -> memref<128x32xf32, #tpu.memory_space<vmem>>
        %dma_start3A_87 = arith.constant 0 : i32
        %dma_start3A_88 = tpu.memref_slice %arg5[%add3A_83, %dma_start3A_87] : memref<200x128xi32, #tpu.memory_space<vmem>> -> memref<1x128xi32, #tpu.memory_space<vmem>>
        %dma_start3A_89 = tpu.memref_squeeze %dma_start3A_88 : memref<1x128xi32, #tpu.memory_space<vmem>> -> memref<128xi32, #tpu.memory_space<vmem>>
        %dma_start3A_90 = arith.constant 0 : i32
        %dma_start3A_91 = arith.constant 0 : i32
        %dma_start3A_92 = tpu.memref_slice %arg3[%dma_start3A_90, %dma_start3A_91] : memref<1000000x32xf32, #tpu.memory_space<hbm>> -> memref<1000000x32xf32, #tpu.memory_space<hbm>>
        tpu.enqueue_indirect_dma source(%dma_start3A_92 : memref<1000000x32xf32, #tpu.memory_space<hbm>>) target(%dma_start3A_86 : memref<128x32xf32, #tpu.memory_space<vmem>>) offsets(%dma_start3A_89 : memref<128xi32, #tpu.memory_space<vmem>>) semaphore(%arg9 : memref<!tpu.dma_semaphore, #tpu.memory_space<semaphore_mem>>)
        %mul3A_93 = arith.constant 8 : i32
        %mul3A_94 = arith.muli %add3A_12, %mul3A_93 : i32
        %add3A_95 = arith.constant 3 : i32
        %add3A_96 = arith.addi %mul3A_94, %add3A_95 : i32
        %dma_start3A_97 = arith.constant 384 : i32
        %dma_start3A_98 = arith.constant 0 : i32
        %dma_start3A_99 = tpu.memref_slice %arg6[%dma_start3A_97, %dma_start3A_98] : memref<1024x32xf32, #tpu.memory_space<vmem>> -> memref<128x32xf32, #tpu.memory_space<vmem>>
        %dma_start3A_100 = arith.constant 0 : i32
        %dma_start3A_101 = tpu.memref_slice %arg5[%add3A_96, %dma_start3A_100] : memref<200x128xi32, #tpu.memory_space<vmem>> -> memref<1x128xi32, #tpu.memory_space<vmem>>
        %dma_start3A_102 = tpu.memref_squeeze %dma_start3A_101 : memref<1x128xi32, #tpu.memory_space<vmem>> -> memref<128xi32, #tpu.memory_space<vmem>>
        %dma_start3A_103 = arith.constant 0 : i32
        %dma_start3A_104 = arith.constant 0 : i32
        %dma_start3A_105 = tpu.memref_slice %arg3[%dma_start3A_103, %dma_start3A_104] : memref<1000000x32xf32, #tpu.memory_space<hbm>> -> memref<1000000x32xf32, #tpu.memory_space<hbm>>
        tpu.enqueue_indirect_dma source(%dma_start3A_105 : memref<1000000x32xf32, #tpu.memory_space<hbm>>) target(%dma_start3A_99 : memref<128x32xf32, #tpu.memory_space<vmem>>) offsets(%dma_start3A_102 : memref<128xi32, #tpu.memory_space<vmem>>) semaphore(%arg9 : memref<!tpu.dma_semaphore, #tpu.memory_space<semaphore_mem>>)
        %mul3A_106 = arith.constant 8 : i32
        %mul3A_107 = arith.muli %add3A_12, %mul3A_106 : i32
        %add3A_108 = arith.constant 4 : i32
        %add3A_109 = arith.addi %mul3A_107, %add3A_108 : i32
        %dma_start3A_110 = arith.constant 512 : i32
        %dma_start3A_111 = arith.constant 0 : i32
        %dma_start3A_112 = tpu.memref_slice %arg6[%dma_start3A_110, %dma_start3A_111] : memref<1024x32xf32, #tpu.memory_space<vmem>> -> memref<128x32xf32, #tpu.memory_space<vmem>>
        %dma_start3A_113 = arith.constant 0 : i32
        %dma_start3A_114 = tpu.memref_slice %arg5[%add3A_109, %dma_start3A_113] : memref<200x128xi32, #tpu.memory_space<vmem>> -> memref<1x128xi32, #tpu.memory_space<vmem>>
        %dma_start3A_115 = tpu.memref_squeeze %dma_start3A_114 : memref<1x128xi32, #tpu.memory_space<vmem>> -> memref<128xi32, #tpu.memory_space<vmem>>
        %dma_start3A_116 = arith.constant 0 : i32
        %dma_start3A_117 = arith.constant 0 : i32
        %dma_start3A_118 = tpu.memref_slice %arg3[%dma_start3A_116, %dma_start3A_117] : memref<1000000x32xf32, #tpu.memory_space<hbm>> -> memref<1000000x32xf32, #tpu.memory_space<hbm>>
        tpu.enqueue_indirect_dma source(%dma_start3A_118 : memref<1000000x32xf32, #tpu.memory_space<hbm>>) target(%dma_start3A_112 : memref<128x32xf32, #tpu.memory_space<vmem>>) offsets(%dma_start3A_115 : memref<128xi32, #tpu.memory_space<vmem>>) semaphore(%arg9 : memref<!tpu.dma_semaphore, #tpu.memory_space<semaphore_mem>>)
        %mul3A_119 = arith.constant 8 : i32
        %mul3A_120 = arith.muli %add3A_12, %mul3A_119 : i32
        %add3A_121 = arith.constant 5 : i32
        %add3A_122 = arith.addi %mul3A_120, %add3A_121 : i32
        %dma_start3A_123 = arith.constant 640 : i32
        %dma_start3A_124 = arith.constant 0 : i32
        %dma_start3A_125 = tpu.memref_slice %arg6[%dma_start3A_123, %dma_start3A_124] : memref<1024x32xf32, #tpu.memory_space<vmem>> -> memref<128x32xf32, #tpu.memory_space<vmem>>
        %dma_start3A_126 = arith.constant 0 : i32
        %dma_start3A_127 = tpu.memref_slice %arg5[%add3A_122, %dma_start3A_126] : memref<200x128xi32, #tpu.memory_space<vmem>> -> memref<1x128xi32, #tpu.memory_space<vmem>>
        %dma_start3A_128 = tpu.memref_squeeze %dma_start3A_127 : memref<1x128xi32, #tpu.memory_space<vmem>> -> memref<128xi32, #tpu.memory_space<vmem>>
        %dma_start3A_129 = arith.constant 0 : i32
        %dma_start3A_130 = arith.constant 0 : i32
        %dma_start3A_131 = tpu.memref_slice %arg3[%dma_start3A_129, %dma_start3A_130] : memref<1000000x32xf32, #tpu.memory_space<hbm>> -> memref<1000000x32xf32, #tpu.memory_space<hbm>>
        tpu.enqueue_indirect_dma source(%dma_start3A_131 : memref<1000000x32xf32, #tpu.memory_space<hbm>>) target(%dma_start3A_125 : memref<128x32xf32, #tpu.memory_space<vmem>>) offsets(%dma_start3A_128 : memref<128xi32, #tpu.memory_space<vmem>>) semaphore(%arg9 : memref<!tpu.dma_semaphore, #tpu.memory_space<semaphore_mem>>)
        %mul3A_132 = arith.constant 8 : i32
        %mul3A_133 = arith.muli %add3A_12, %mul3A_132 : i32
        %add3A_134 = arith.constant 6 : i32
        %add3A_135 = arith.addi %mul3A_133, %add3A_134 : i32
        %dma_start3A_136 = arith.constant 768 : i32
        %dma_start3A_137 = arith.constant 0 : i32
        %dma_start3A_138 = tpu.memref_slice %arg6[%dma_start3A_136, %dma_start3A_137] : memref<1024x32xf32, #tpu.memory_space<vmem>> -> memref<128x32xf32, #tpu.memory_space<vmem>>
        %dma_start3A_139 = arith.constant 0 : i32
        %dma_start3A_140 = tpu.memref_slice %arg5[%add3A_135, %dma_start3A_139] : memref<200x128xi32, #tpu.memory_space<vmem>> -> memref<1x128xi32, #tpu.memory_space<vmem>>
        %dma_start3A_141 = tpu.memref_squeeze %dma_start3A_140 : memref<1x128xi32, #tpu.memory_space<vmem>> -> memref<128xi32, #tpu.memory_space<vmem>>
        %dma_start3A_142 = arith.constant 0 : i32
        %dma_start3A_143 = arith.constant 0 : i32
        %dma_start3A_144 = tpu.memref_slice %arg3[%dma_start3A_142, %dma_start3A_143] : memref<1000000x32xf32, #tpu.memory_space<hbm>> -> memref<1000000x32xf32, #tpu.memory_space<hbm>>
        tpu.enqueue_indirect_dma source(%dma_start3A_144 : memref<1000000x32xf32, #tpu.memory_space<hbm>>) target(%dma_start3A_138 : memref<128x32xf32, #tpu.memory_space<vmem>>) offsets(%dma_start3A_141 : memref<128xi32, #tpu.memory_space<vmem>>) semaphore(%arg9 : memref<!tpu.dma_semaphore, #tpu.memory_space<semaphore_mem>>)
        %mul3A_145 = arith.constant 8 : i32
        %mul3A_146 = arith.muli %add3A_12, %mul3A_145 : i32
        %add3A_147 = arith.constant 7 : i32
        %add3A_148 = arith.addi %mul3A_146, %add3A_147 : i32
        %dma_start3A_149 = arith.constant 896 : i32
        %dma_start3A_150 = arith.constant 0 : i32
        %dma_start3A_151 = tpu.memref_slice %arg6[%dma_start3A_149, %dma_start3A_150] : memref<1024x32xf32, #tpu.memory_space<vmem>> -> memref<128x32xf32, #tpu.memory_space<vmem>>
        %dma_start3A_152 = arith.constant 0 : i32
        %dma_start3A_153 = tpu.memref_slice %arg5[%add3A_148, %dma_start3A_152] : memref<200x128xi32, #tpu.memory_space<vmem>> -> memref<1x128xi32, #tpu.memory_space<vmem>>
        %dma_start3A_154 = tpu.memref_squeeze %dma_start3A_153 : memref<1x128xi32, #tpu.memory_space<vmem>> -> memref<128xi32, #tpu.memory_space<vmem>>
        %dma_start3A_155 = arith.constant 0 : i32
        %dma_start3A_156 = arith.constant 0 : i32
        %dma_start3A_157 = tpu.memref_slice %arg3[%dma_start3A_155, %dma_start3A_156] : memref<1000000x32xf32, #tpu.memory_space<hbm>> -> memref<1000000x32xf32, #tpu.memory_space<hbm>>
        tpu.enqueue_indirect_dma source(%dma_start3A_157 : memref<1000000x32xf32, #tpu.memory_space<hbm>>) target(%dma_start3A_151 : memref<128x32xf32, #tpu.memory_space<vmem>>) offsets(%dma_start3A_154 : memref<128xi32, #tpu.memory_space<vmem>>) semaphore(%arg9 : memref<!tpu.dma_semaphore, #tpu.memory_space<semaphore_mem>>)
      } else {
      }
      %ge3A = arith.constant 1 : i32
      %ge3A_15 = arith.cmpi sge, %add3A_12, %ge3A : i32
      %lt3A_16 = arith.constant 26 : i32
      %lt3A_17 = arith.cmpi slt, %add3A_12, %lt3A_16 : i32
      %and3A = arith.andi %ge3A_15, %lt3A_17 : i1
      %convert_element_type3A_18 = arith.extui %and3A : i1 to i32
      %cond3A_19 = arith.constant 0 : i32
      %cond3A_20 = arith.cmpi ne, %convert_element_type3A_18, %cond3A_19 : i32
      scf.if %cond3A_20 {
        %sub3A = arith.constant 1 : i32
        %sub3A_55 = arith.subi %add3A_12, %sub3A : i32
        %mul3A_56 = arith.constant 8 : i32
        %mul3A_57 = arith.muli %sub3A_55, %mul3A_56 : i32
        %add3A_58 = arith.addi %mul3A_2, %mul3A_57 : i32
        %mul3A_59 = arith.constant 128 : i32
        %mul3A_60 = arith.muli %add3A_58, %mul3A_59 : i32
        %dma_wait3A = arith.constant 0 : i32
        %dma_wait3A_61 = tpu.memref_slice %arg4[%mul3A_60, %dma_wait3A] : memref<819200x128xf32, #tpu.memory_space<hbm>> -> memref<1024x32xf32, #tpu.memory_space<hbm>>
        %dma_wait3A_62 = arith.constant 0 : i32
        %dma_wait3A_63 = tpu.memref_slice %arg4[%mul3A_60, %dma_wait3A_62] : memref<819200x128xf32, #tpu.memory_space<hbm>> -> memref<1024x32xf32, #tpu.memory_space<hbm>>
        tpu.wait_dma2 semaphore(%arg11 : memref<!tpu.dma_semaphore, #tpu.memory_space<semaphore_mem>>) src(%dma_wait3A_63 : memref<1024x32xf32, #tpu.memory_space<hbm>>) dst(%arg8 : memref<1024x32xf32, #tpu.memory_space<vmem>>)
        %mul3A_64 = arith.constant 8 : i32
        %mul3A_65 = arith.muli %sub3A_55, %mul3A_64 : i32
        %add3A_66 = arith.addi %mul3A_2, %mul3A_65 : i32
        %mul3A_67 = arith.constant 128 : i32
        %mul3A_68 = arith.muli %add3A_66, %mul3A_67 : i32
        "tpu.region"() ({
          %run_scoped3A = tpu.sem_alloc : memref<!tpu.dma_semaphore, #tpu.memory_space<semaphore_mem>>
          %dma_start3A = arith.constant 0 : i32
          %dma_start3A_69 = tpu.memref_slice %arg4[%mul3A_68, %dma_start3A] : memref<819200x128xf32, #tpu.memory_space<hbm>> -> memref<1024x32xf32, #tpu.memory_space<hbm>>
          %dma_start3A_70 = arith.constant 0 : i32
          %dma_start3A_71 = tpu.memref_slice %arg4[%mul3A_68, %dma_start3A_70] : memref<819200x128xf32, #tpu.memory_space<hbm>> -> memref<1024x32xf32, #tpu.memory_space<hbm>>
          tpu.enqueue_dma source(%arg8 : memref<1024x32xf32, #tpu.memory_space<vmem>>) target(%dma_start3A_71 : memref<1024x32xf32, #tpu.memory_space<hbm>>) target_semaphore(%run_scoped3A : memref<!tpu.dma_semaphore, #tpu.memory_space<semaphore_mem>>)
          %dma_wait3A_72 = arith.constant 0 : i32
          %dma_wait3A_73 = tpu.memref_slice %arg4[%mul3A_68, %dma_wait3A_72] : memref<819200x128xf32, #tpu.memory_space<hbm>> -> memref<1024x32xf32, #tpu.memory_space<hbm>>
          %dma_wait3A_74 = arith.constant 0 : i32
          %dma_wait3A_75 = tpu.memref_slice %arg4[%mul3A_68, %dma_wait3A_74] : memref<819200x128xf32, #tpu.memory_space<hbm>> -> memref<1024x32xf32, #tpu.memory_space<hbm>>
          tpu.wait_dma2 semaphore(%run_scoped3A : memref<!tpu.dma_semaphore, #tpu.memory_space<semaphore_mem>>) src(%arg8 : memref<1024x32xf32, #tpu.memory_space<vmem>>) dst(%dma_wait3A_75 : memref<1024x32xf32, #tpu.memory_space<hbm>>)
          tpu.yield
        }) : () -> ()
      } else {
      }
      %mul3A_21 = arith.constant 3 : i32
      %mul3A_22 = arith.muli %scan3A_8, %mul3A_21 : i32
      %add3A_23 = arith.constant 1 : i32
      %add3A_24 = arith.addi %mul3A_22, %add3A_23 : i32
      %lt3A_25 = arith.constant 25 : i32
      %lt3A_26 = arith.cmpi slt, %add3A_24, %lt3A_25 : i32
      %convert_element_type3A_27 = arith.extui %lt3A_26 : i1 to i32
      %cond3A_28 = arith.constant 0 : i32
      %cond3A_29 = arith.cmpi ne, %convert_element_type3A_27, %cond3A_28 : i32
      scf.if %cond3A_29 {
        %mul3A_55 = arith.constant 8 : i32
        %mul3A_56 = arith.muli %add3A_24, %mul3A_55 : i32
        %add3A_57 = arith.constant 0 : i32
        %add3A_58 = arith.addi %mul3A_56, %add3A_57 : i32
        %dma_start3A = arith.constant 0 : i32
        %dma_start3A_59 = arith.constant 0 : i32
        %dma_start3A_60 = tpu.memref_slice %arg7[%dma_start3A, %dma_start3A_59] : memref<1024x32xf32, #tpu.memory_space<vmem>> -> memref<128x32xf32, #tpu.memory_space<vmem>>
        %dma_start3A_61 = arith.constant 0 : i32
        %dma_start3A_62 = tpu.memref_slice %arg5[%add3A_58, %dma_start3A_61] : memref<200x128xi32, #tpu.memory_space<vmem>> -> memref<1x128xi32, #tpu.memory_space<vmem>>
        %dma_start3A_63 = tpu.memref_squeeze %dma_start3A_62 : memref<1x128xi32, #tpu.memory_space<vmem>> -> memref<128xi32, #tpu.memory_space<vmem>>
        %dma_start3A_64 = arith.constant 0 : i32
        %dma_start3A_65 = arith.constant 0 : i32
        %dma_start3A_66 = tpu.memref_slice %arg3[%dma_start3A_64, %dma_start3A_65] : memref<1000000x32xf32, #tpu.memory_space<hbm>> -> memref<1000000x32xf32, #tpu.memory_space<hbm>>
        tpu.enqueue_indirect_dma source(%dma_start3A_66 : memref<1000000x32xf32, #tpu.memory_space<hbm>>) target(%dma_start3A_60 : memref<128x32xf32, #tpu.memory_space<vmem>>) offsets(%dma_start3A_63 : memref<128xi32, #tpu.memory_space<vmem>>) semaphore(%arg10 : memref<!tpu.dma_semaphore, #tpu.memory_space<semaphore_mem>>)
        %mul3A_67 = arith.constant 8 : i32
        %mul3A_68 = arith.muli %add3A_24, %mul3A_67 : i32
        %add3A_69 = arith.constant 1 : i32
        %add3A_70 = arith.addi %mul3A_68, %add3A_69 : i32
        %dma_start3A_71 = arith.constant 128 : i32
        %dma_start3A_72 = arith.constant 0 : i32
        %dma_start3A_73 = tpu.memref_slice %arg7[%dma_start3A_71, %dma_start3A_72] : memref<1024x32xf32, #tpu.memory_space<vmem>> -> memref<128x32xf32, #tpu.memory_space<vmem>>
        %dma_start3A_74 = arith.constant 0 : i32
        %dma_start3A_75 = tpu.memref_slice %arg5[%add3A_70, %dma_start3A_74] : memref<200x128xi32, #tpu.memory_space<vmem>> -> memref<1x128xi32, #tpu.memory_space<vmem>>
        %dma_start3A_76 = tpu.memref_squeeze %dma_start3A_75 : memref<1x128xi32, #tpu.memory_space<vmem>> -> memref<128xi32, #tpu.memory_space<vmem>>
        %dma_start3A_77 = arith.constant 0 : i32
        %dma_start3A_78 = arith.constant 0 : i32
        %dma_start3A_79 = tpu.memref_slice %arg3[%dma_start3A_77, %dma_start3A_78] : memref<1000000x32xf32, #tpu.memory_space<hbm>> -> memref<1000000x32xf32, #tpu.memory_space<hbm>>
        tpu.enqueue_indirect_dma source(%dma_start3A_79 : memref<1000000x32xf32, #tpu.memory_space<hbm>>) target(%dma_start3A_73 : memref<128x32xf32, #tpu.memory_space<vmem>>) offsets(%dma_start3A_76 : memref<128xi32, #tpu.memory_space<vmem>>) semaphore(%arg10 : memref<!tpu.dma_semaphore, #tpu.memory_space<semaphore_mem>>)
        %mul3A_80 = arith.constant 8 : i32
        %mul3A_81 = arith.muli %add3A_24, %mul3A_80 : i32
        %add3A_82 = arith.constant 2 : i32
        %add3A_83 = arith.addi %mul3A_81, %add3A_82 : i32
        %dma_start3A_84 = arith.constant 256 : i32
        %dma_start3A_85 = arith.constant 0 : i32
        %dma_start3A_86 = tpu.memref_slice %arg7[%dma_start3A_84, %dma_start3A_85] : memref<1024x32xf32, #tpu.memory_space<vmem>> -> memref<128x32xf32, #tpu.memory_space<vmem>>
        %dma_start3A_87 = arith.constant 0 : i32
        %dma_start3A_88 = tpu.memref_slice %arg5[%add3A_83, %dma_start3A_87] : memref<200x128xi32, #tpu.memory_space<vmem>> -> memref<1x128xi32, #tpu.memory_space<vmem>>
        %dma_start3A_89 = tpu.memref_squeeze %dma_start3A_88 : memref<1x128xi32, #tpu.memory_space<vmem>> -> memref<128xi32, #tpu.memory_space<vmem>>
        %dma_start3A_90 = arith.constant 0 : i32
        %dma_start3A_91 = arith.constant 0 : i32
        %dma_start3A_92 = tpu.memref_slice %arg3[%dma_start3A_90, %dma_start3A_91] : memref<1000000x32xf32, #tpu.memory_space<hbm>> -> memref<1000000x32xf32, #tpu.memory_space<hbm>>
        tpu.enqueue_indirect_dma source(%dma_start3A_92 : memref<1000000x32xf32, #tpu.memory_space<hbm>>) target(%dma_start3A_86 : memref<128x32xf32, #tpu.memory_space<vmem>>) offsets(%dma_start3A_89 : memref<128xi32, #tpu.memory_space<vmem>>) semaphore(%arg10 : memref<!tpu.dma_semaphore, #tpu.memory_space<semaphore_mem>>)
        %mul3A_93 = arith.constant 8 : i32
        %mul3A_94 = arith.muli %add3A_24, %mul3A_93 : i32
        %add3A_95 = arith.constant 3 : i32
        %add3A_96 = arith.addi %mul3A_94, %add3A_95 : i32
        %dma_start3A_97 = arith.constant 384 : i32
        %dma_start3A_98 = arith.constant 0 : i32
        %dma_start3A_99 = tpu.memref_slice %arg7[%dma_start3A_97, %dma_start3A_98] : memref<1024x32xf32, #tpu.memory_space<vmem>> -> memref<128x32xf32, #tpu.memory_space<vmem>>
        %dma_start3A_100 = arith.constant 0 : i32
        %dma_start3A_101 = tpu.memref_slice %arg5[%add3A_96, %dma_start3A_100] : memref<200x128xi32, #tpu.memory_space<vmem>> -> memref<1x128xi32, #tpu.memory_space<vmem>>
        %dma_start3A_102 = tpu.memref_squeeze %dma_start3A_101 : memref<1x128xi32, #tpu.memory_space<vmem>> -> memref<128xi32, #tpu.memory_space<vmem>>
        %dma_start3A_103 = arith.constant 0 : i32
        %dma_start3A_104 = arith.constant 0 : i32
        %dma_start3A_105 = tpu.memref_slice %arg3[%dma_start3A_103, %dma_start3A_104] : memref<1000000x32xf32, #tpu.memory_space<hbm>> -> memref<1000000x32xf32, #tpu.memory_space<hbm>>
        tpu.enqueue_indirect_dma source(%dma_start3A_105 : memref<1000000x32xf32, #tpu.memory_space<hbm>>) target(%dma_start3A_99 : memref<128x32xf32, #tpu.memory_space<vmem>>) offsets(%dma_start3A_102 : memref<128xi32, #tpu.memory_space<vmem>>) semaphore(%arg10 : memref<!tpu.dma_semaphore, #tpu.memory_space<semaphore_mem>>)
        %mul3A_106 = arith.constant 8 : i32
        %mul3A_107 = arith.muli %add3A_24, %mul3A_106 : i32
        %add3A_108 = arith.constant 4 : i32
        %add3A_109 = arith.addi %mul3A_107, %add3A_108 : i32
        %dma_start3A_110 = arith.constant 512 : i32
        %dma_start3A_111 = arith.constant 0 : i32
        %dma_start3A_112 = tpu.memref_slice %arg7[%dma_start3A_110, %dma_start3A_111] : memref<1024x32xf32, #tpu.memory_space<vmem>> -> memref<128x32xf32, #tpu.memory_space<vmem>>
        %dma_start3A_113 = arith.constant 0 : i32
        %dma_start3A_114 = tpu.memref_slice %arg5[%add3A_109, %dma_start3A_113] : memref<200x128xi32, #tpu.memory_space<vmem>> -> memref<1x128xi32, #tpu.memory_space<vmem>>
        %dma_start3A_115 = tpu.memref_squeeze %dma_start3A_114 : memref<1x128xi32, #tpu.memory_space<vmem>> -> memref<128xi32, #tpu.memory_space<vmem>>
        %dma_start3A_116 = arith.constant 0 : i32
        %dma_start3A_117 = arith.constant 0 : i32
        %dma_start3A_118 = tpu.memref_slice %arg3[%dma_start3A_116, %dma_start3A_117] : memref<1000000x32xf32, #tpu.memory_space<hbm>> -> memref<1000000x32xf32, #tpu.memory_space<hbm>>
        tpu.enqueue_indirect_dma source(%dma_start3A_118 : memref<1000000x32xf32, #tpu.memory_space<hbm>>) target(%dma_start3A_112 : memref<128x32xf32, #tpu.memory_space<vmem>>) offsets(%dma_start3A_115 : memref<128xi32, #tpu.memory_space<vmem>>) semaphore(%arg10 : memref<!tpu.dma_semaphore, #tpu.memory_space<semaphore_mem>>)
        %mul3A_119 = arith.constant 8 : i32
        %mul3A_120 = arith.muli %add3A_24, %mul3A_119 : i32
        %add3A_121 = arith.constant 5 : i32
        %add3A_122 = arith.addi %mul3A_120, %add3A_121 : i32
        %dma_start3A_123 = arith.constant 640 : i32
        %dma_start3A_124 = arith.constant 0 : i32
        %dma_start3A_125 = tpu.memref_slice %arg7[%dma_start3A_123, %dma_start3A_124] : memref<1024x32xf32, #tpu.memory_space<vmem>> -> memref<128x32xf32, #tpu.memory_space<vmem>>
        %dma_start3A_126 = arith.constant 0 : i32
        %dma_start3A_127 = tpu.memref_slice %arg5[%add3A_122, %dma_start3A_126] : memref<200x128xi32, #tpu.memory_space<vmem>> -> memref<1x128xi32, #tpu.memory_space<vmem>>
        %dma_start3A_128 = tpu.memref_squeeze %dma_start3A_127 : memref<1x128xi32, #tpu.memory_space<vmem>> -> memref<128xi32, #tpu.memory_space<vmem>>
        %dma_start3A_129 = arith.constant 0 : i32
        %dma_start3A_130 = arith.constant 0 : i32
        %dma_start3A_131 = tpu.memref_slice %arg3[%dma_start3A_129, %dma_start3A_130] : memref<1000000x32xf32, #tpu.memory_space<hbm>> -> memref<1000000x32xf32, #tpu.memory_space<hbm>>
        tpu.enqueue_indirect_dma source(%dma_start3A_131 : memref<1000000x32xf32, #tpu.memory_space<hbm>>) target(%dma_start3A_125 : memref<128x32xf32, #tpu.memory_space<vmem>>) offsets(%dma_start3A_128 : memref<128xi32, #tpu.memory_space<vmem>>) semaphore(%arg10 : memref<!tpu.dma_semaphore, #tpu.memory_space<semaphore_mem>>)
        %mul3A_132 = arith.constant 8 : i32
        %mul3A_133 = arith.muli %add3A_24, %mul3A_132 : i32
        %add3A_134 = arith.constant 6 : i32
        %add3A_135 = arith.addi %mul3A_133, %add3A_134 : i32
        %dma_start3A_136 = arith.constant 768 : i32
        %dma_start3A_137 = arith.constant 0 : i32
        %dma_start3A_138 = tpu.memref_slice %arg7[%dma_start3A_136, %dma_start3A_137] : memref<1024x32xf32, #tpu.memory_space<vmem>> -> memref<128x32xf32, #tpu.memory_space<vmem>>
        %dma_start3A_139 = arith.constant 0 : i32
        %dma_start3A_140 = tpu.memref_slice %arg5[%add3A_135, %dma_start3A_139] : memref<200x128xi32, #tpu.memory_space<vmem>> -> memref<1x128xi32, #tpu.memory_space<vmem>>
        %dma_start3A_141 = tpu.memref_squeeze %dma_start3A_140 : memref<1x128xi32, #tpu.memory_space<vmem>> -> memref<128xi32, #tpu.memory_space<vmem>>
        %dma_start3A_142 = arith.constant 0 : i32
        %dma_start3A_143 = arith.constant 0 : i32
        %dma_start3A_144 = tpu.memref_slice %arg3[%dma_start3A_142, %dma_start3A_143] : memref<1000000x32xf32, #tpu.memory_space<hbm>> -> memref<1000000x32xf32, #tpu.memory_space<hbm>>
        tpu.enqueue_indirect_dma source(%dma_start3A_144 : memref<1000000x32xf32, #tpu.memory_space<hbm>>) target(%dma_start3A_138 : memref<128x32xf32, #tpu.memory_space<vmem>>) offsets(%dma_start3A_141 : memref<128xi32, #tpu.memory_space<vmem>>) semaphore(%arg10 : memref<!tpu.dma_semaphore, #tpu.memory_space<semaphore_mem>>)
        %mul3A_145 = arith.constant 8 : i32
        %mul3A_146 = arith.muli %add3A_24, %mul3A_145 : i32
        %add3A_147 = arith.constant 7 : i32
        %add3A_148 = arith.addi %mul3A_146, %add3A_147 : i32
        %dma_start3A_149 = arith.constant 896 : i32
        %dma_start3A_150 = arith.constant 0 : i32
        %dma_start3A_151 = tpu.memref_slice %arg7[%dma_start3A_149, %dma_start3A_150] : memref<1024x32xf32, #tpu.memory_space<vmem>> -> memref<128x32xf32, #tpu.memory_space<vmem>>
        %dma_start3A_152 = arith.constant 0 : i32
        %dma_start3A_153 = tpu.memref_slice %arg5[%add3A_148, %dma_start3A_152] : memref<200x128xi32, #tpu.memory_space<vmem>> -> memref<1x128xi32, #tpu.memory_space<vmem>>
        %dma_start3A_154 = tpu.memref_squeeze %dma_start3A_153 : memref<1x128xi32, #tpu.memory_space<vmem>> -> memref<128xi32, #tpu.memory_space<vmem>>
        %dma_start3A_155 = arith.constant 0 : i32
        %dma_start3A_156 = arith.constant 0 : i32
        %dma_start3A_157 = tpu.memref_slice %arg3[%dma_start3A_155, %dma_start3A_156] : memref<1000000x32xf32, #tpu.memory_space<hbm>> -> memref<1000000x32xf32, #tpu.memory_space<hbm>>
        tpu.enqueue_indirect_dma source(%dma_start3A_157 : memref<1000000x32xf32, #tpu.memory_space<hbm>>) target(%dma_start3A_151 : memref<128x32xf32, #tpu.memory_space<vmem>>) offsets(%dma_start3A_154 : memref<128xi32, #tpu.memory_space<vmem>>) semaphore(%arg10 : memref<!tpu.dma_semaphore, #tpu.memory_space<semaphore_mem>>)
      } else {
      }
      %ge3A_30 = arith.constant 1 : i32
      %ge3A_31 = arith.cmpi sge, %add3A_24, %ge3A_30 : i32
      %lt3A_32 = arith.constant 26 : i32
      %lt3A_33 = arith.cmpi slt, %add3A_24, %lt3A_32 : i32
      %and3A_34 = arith.andi %ge3A_31, %lt3A_33 : i1
      %convert_element_type3A_35 = arith.extui %and3A_34 : i1 to i32
      %cond3A_36 = arith.constant 0 : i32
      %cond3A_37 = arith.cmpi ne, %convert_element_type3A_35, %cond3A_36 : i32
      scf.if %cond3A_37 {
        %sub3A = arith.constant 1 : i32
        %sub3A_55 = arith.subi %add3A_24, %sub3A : i32
        %mul3A_56 = arith.constant 8 : i32
        %mul3A_57 = arith.muli %sub3A_55, %mul3A_56 : i32
        %add3A_58 = arith.addi %mul3A_2, %mul3A_57 : i32
        %mul3A_59 = arith.constant 128 : i32
        %mul3A_60 = arith.muli %add3A_58, %mul3A_59 : i32
        %dma_wait3A = arith.constant 0 : i32
        %dma_wait3A_61 = tpu.memref_slice %arg4[%mul3A_60, %dma_wait3A] : memref<819200x128xf32, #tpu.memory_space<hbm>> -> memref<1024x32xf32, #tpu.memory_space<hbm>>
        %dma_wait3A_62 = arith.constant 0 : i32
        %dma_wait3A_63 = tpu.memref_slice %arg4[%mul3A_60, %dma_wait3A_62] : memref<819200x128xf32, #tpu.memory_space<hbm>> -> memref<1024x32xf32, #tpu.memory_space<hbm>>
        tpu.wait_dma2 semaphore(%arg9 : memref<!tpu.dma_semaphore, #tpu.memory_space<semaphore_mem>>) src(%dma_wait3A_63 : memref<1024x32xf32, #tpu.memory_space<hbm>>) dst(%arg6 : memref<1024x32xf32, #tpu.memory_space<vmem>>)
        %mul3A_64 = arith.constant 8 : i32
        %mul3A_65 = arith.muli %sub3A_55, %mul3A_64 : i32
        %add3A_66 = arith.addi %mul3A_2, %mul3A_65 : i32
        %mul3A_67 = arith.constant 128 : i32
        %mul3A_68 = arith.muli %add3A_66, %mul3A_67 : i32
        "tpu.region"() ({
          %run_scoped3A = tpu.sem_alloc : memref<!tpu.dma_semaphore, #tpu.memory_space<semaphore_mem>>
          %dma_start3A = arith.constant 0 : i32
          %dma_start3A_69 = tpu.memref_slice %arg4[%mul3A_68, %dma_start3A] : memref<819200x128xf32, #tpu.memory_space<hbm>> -> memref<1024x32xf32, #tpu.memory_space<hbm>>
          %dma_start3A_70 = arith.constant 0 : i32
          %dma_start3A_71 = tpu.memref_slice %arg4[%mul3A_68, %dma_start3A_70] : memref<819200x128xf32, #tpu.memory_space<hbm>> -> memref<1024x32xf32, #tpu.memory_space<hbm>>
          tpu.enqueue_dma source(%arg6 : memref<1024x32xf32, #tpu.memory_space<vmem>>) target(%dma_start3A_71 : memref<1024x32xf32, #tpu.memory_space<hbm>>) target_semaphore(%run_scoped3A : memref<!tpu.dma_semaphore, #tpu.memory_space<semaphore_mem>>)
          %dma_wait3A_72 = arith.constant 0 : i32
          %dma_wait3A_73 = tpu.memref_slice %arg4[%mul3A_68, %dma_wait3A_72] : memref<819200x128xf32, #tpu.memory_space<hbm>> -> memref<1024x32xf32, #tpu.memory_space<hbm>>
          %dma_wait3A_74 = arith.constant 0 : i32
          %dma_wait3A_75 = tpu.memref_slice %arg4[%mul3A_68, %dma_wait3A_74] : memref<819200x128xf32, #tpu.memory_space<hbm>> -> memref<1024x32xf32, #tpu.memory_space<hbm>>
          tpu.wait_dma2 semaphore(%run_scoped3A : memref<!tpu.dma_semaphore, #tpu.memory_space<semaphore_mem>>) src(%arg6 : memref<1024x32xf32, #tpu.memory_space<vmem>>) dst(%dma_wait3A_75 : memref<1024x32xf32, #tpu.memory_space<hbm>>)
          tpu.yield
        }) : () -> ()
      } else {
      }
      %mul3A_38 = arith.constant 3 : i32
      %mul3A_39 = arith.muli %scan3A_8, %mul3A_38 : i32
      %add3A_40 = arith.constant 2 : i32
      %add3A_41 = arith.addi %mul3A_39, %add3A_40 : i32
      %lt3A_42 = arith.constant 25 : i32
      %lt3A_43 = arith.cmpi slt, %add3A_41, %lt3A_42 : i32
      %convert_element_type3A_44 = arith.extui %lt3A_43 : i1 to i32
      %cond3A_45 = arith.constant 0 : i32
      %cond3A_46 = arith.cmpi ne, %convert_element_type3A_44, %cond3A_45 : i32
      scf.if %cond3A_46 {
        %mul3A_55 = arith.constant 8 : i32
        %mul3A_56 = arith.muli %add3A_41, %mul3A_55 : i32
        %add3A_57 = arith.constant 0 : i32
        %add3A_58 = arith.addi %mul3A_56, %add3A_57 : i32
        %dma_start3A = arith.constant 0 : i32
        %dma_start3A_59 = arith.constant 0 : i32
        %dma_start3A_60 = tpu.memref_slice %arg8[%dma_start3A, %dma_start3A_59] : memref<1024x32xf32, #tpu.memory_space<vmem>> -> memref<128x32xf32, #tpu.memory_space<vmem>>
        %dma_start3A_61 = arith.constant 0 : i32
        %dma_start3A_62 = tpu.memref_slice %arg5[%add3A_58, %dma_start3A_61] : memref<200x128xi32, #tpu.memory_space<vmem>> -> memref<1x128xi32, #tpu.memory_space<vmem>>
        %dma_start3A_63 = tpu.memref_squeeze %dma_start3A_62 : memref<1x128xi32, #tpu.memory_space<vmem>> -> memref<128xi32, #tpu.memory_space<vmem>>
        %dma_start3A_64 = arith.constant 0 : i32
        %dma_start3A_65 = arith.constant 0 : i32
        %dma_start3A_66 = tpu.memref_slice %arg3[%dma_start3A_64, %dma_start3A_65] : memref<1000000x32xf32, #tpu.memory_space<hbm>> -> memref<1000000x32xf32, #tpu.memory_space<hbm>>
        tpu.enqueue_indirect_dma source(%dma_start3A_66 : memref<1000000x32xf32, #tpu.memory_space<hbm>>) target(%dma_start3A_60 : memref<128x32xf32, #tpu.memory_space<vmem>>) offsets(%dma_start3A_63 : memref<128xi32, #tpu.memory_space<vmem>>) semaphore(%arg11 : memref<!tpu.dma_semaphore, #tpu.memory_space<semaphore_mem>>)
        %mul3A_67 = arith.constant 8 : i32
        %mul3A_68 = arith.muli %add3A_41, %mul3A_67 : i32
        %add3A_69 = arith.constant 1 : i32
        %add3A_70 = arith.addi %mul3A_68, %add3A_69 : i32
        %dma_start3A_71 = arith.constant 128 : i32
        %dma_start3A_72 = arith.constant 0 : i32
        %dma_start3A_73 = tpu.memref_slice %arg8[%dma_start3A_71, %dma_start3A_72] : memref<1024x32xf32, #tpu.memory_space<vmem>> -> memref<128x32xf32, #tpu.memory_space<vmem>>
        %dma_start3A_74 = arith.constant 0 : i32
        %dma_start3A_75 = tpu.memref_slice %arg5[%add3A_70, %dma_start3A_74] : memref<200x128xi32, #tpu.memory_space<vmem>> -> memref<1x128xi32, #tpu.memory_space<vmem>>
        %dma_start3A_76 = tpu.memref_squeeze %dma_start3A_75 : memref<1x128xi32, #tpu.memory_space<vmem>> -> memref<128xi32, #tpu.memory_space<vmem>>
        %dma_start3A_77 = arith.constant 0 : i32
        %dma_start3A_78 = arith.constant 0 : i32
        %dma_start3A_79 = tpu.memref_slice %arg3[%dma_start3A_77, %dma_start3A_78] : memref<1000000x32xf32, #tpu.memory_space<hbm>> -> memref<1000000x32xf32, #tpu.memory_space<hbm>>
        tpu.enqueue_indirect_dma source(%dma_start3A_79 : memref<1000000x32xf32, #tpu.memory_space<hbm>>) target(%dma_start3A_73 : memref<128x32xf32, #tpu.memory_space<vmem>>) offsets(%dma_start3A_76 : memref<128xi32, #tpu.memory_space<vmem>>) semaphore(%arg11 : memref<!tpu.dma_semaphore, #tpu.memory_space<semaphore_mem>>)
        %mul3A_80 = arith.constant 8 : i32
        %mul3A_81 = arith.muli %add3A_41, %mul3A_80 : i32
        %add3A_82 = arith.constant 2 : i32
        %add3A_83 = arith.addi %mul3A_81, %add3A_82 : i32
        %dma_start3A_84 = arith.constant 256 : i32
        %dma_start3A_85 = arith.constant 0 : i32
        %dma_start3A_86 = tpu.memref_slice %arg8[%dma_start3A_84, %dma_start3A_85] : memref<1024x32xf32, #tpu.memory_space<vmem>> -> memref<128x32xf32, #tpu.memory_space<vmem>>
        %dma_start3A_87 = arith.constant 0 : i32
        %dma_start3A_88 = tpu.memref_slice %arg5[%add3A_83, %dma_start3A_87] : memref<200x128xi32, #tpu.memory_space<vmem>> -> memref<1x128xi32, #tpu.memory_space<vmem>>
        %dma_start3A_89 = tpu.memref_squeeze %dma_start3A_88 : memref<1x128xi32, #tpu.memory_space<vmem>> -> memref<128xi32, #tpu.memory_space<vmem>>
        %dma_start3A_90 = arith.constant 0 : i32
        %dma_start3A_91 = arith.constant 0 : i32
        %dma_start3A_92 = tpu.memref_slice %arg3[%dma_start3A_90, %dma_start3A_91] : memref<1000000x32xf32, #tpu.memory_space<hbm>> -> memref<1000000x32xf32, #tpu.memory_space<hbm>>
        tpu.enqueue_indirect_dma source(%dma_start3A_92 : memref<1000000x32xf32, #tpu.memory_space<hbm>>) target(%dma_start3A_86 : memref<128x32xf32, #tpu.memory_space<vmem>>) offsets(%dma_start3A_89 : memref<128xi32, #tpu.memory_space<vmem>>) semaphore(%arg11 : memref<!tpu.dma_semaphore, #tpu.memory_space<semaphore_mem>>)
        %mul3A_93 = arith.constant 8 : i32
        %mul3A_94 = arith.muli %add3A_41, %mul3A_93 : i32
        %add3A_95 = arith.constant 3 : i32
        %add3A_96 = arith.addi %mul3A_94, %add3A_95 : i32
        %dma_start3A_97 = arith.constant 384 : i32
        %dma_start3A_98 = arith.constant 0 : i32
        %dma_start3A_99 = tpu.memref_slice %arg8[%dma_start3A_97, %dma_start3A_98] : memref<1024x32xf32, #tpu.memory_space<vmem>> -> memref<128x32xf32, #tpu.memory_space<vmem>>
        %dma_start3A_100 = arith.constant 0 : i32
        %dma_start3A_101 = tpu.memref_slice %arg5[%add3A_96, %dma_start3A_100] : memref<200x128xi32, #tpu.memory_space<vmem>> -> memref<1x128xi32, #tpu.memory_space<vmem>>
        %dma_start3A_102 = tpu.memref_squeeze %dma_start3A_101 : memref<1x128xi32, #tpu.memory_space<vmem>> -> memref<128xi32, #tpu.memory_space<vmem>>
        %dma_start3A_103 = arith.constant 0 : i32
        %dma_start3A_104 = arith.constant 0 : i32
        %dma_start3A_105 = tpu.memref_slice %arg3[%dma_start3A_103, %dma_start3A_104] : memref<1000000x32xf32, #tpu.memory_space<hbm>> -> memref<1000000x32xf32, #tpu.memory_space<hbm>>
        tpu.enqueue_indirect_dma source(%dma_start3A_105 : memref<1000000x32xf32, #tpu.memory_space<hbm>>) target(%dma_start3A_99 : memref<128x32xf32, #tpu.memory_space<vmem>>) offsets(%dma_start3A_102 : memref<128xi32, #tpu.memory_space<vmem>>) semaphore(%arg11 : memref<!tpu.dma_semaphore, #tpu.memory_space<semaphore_mem>>)
        %mul3A_106 = arith.constant 8 : i32
        %mul3A_107 = arith.muli %add3A_41, %mul3A_106 : i32
        %add3A_108 = arith.constant 4 : i32
        %add3A_109 = arith.addi %mul3A_107, %add3A_108 : i32
        %dma_start3A_110 = arith.constant 512 : i32
        %dma_start3A_111 = arith.constant 0 : i32
        %dma_start3A_112 = tpu.memref_slice %arg8[%dma_start3A_110, %dma_start3A_111] : memref<1024x32xf32, #tpu.memory_space<vmem>> -> memref<128x32xf32, #tpu.memory_space<vmem>>
        %dma_start3A_113 = arith.constant 0 : i32
        %dma_start3A_114 = tpu.memref_slice %arg5[%add3A_109, %dma_start3A_113] : memref<200x128xi32, #tpu.memory_space<vmem>> -> memref<1x128xi32, #tpu.memory_space<vmem>>
        %dma_start3A_115 = tpu.memref_squeeze %dma_start3A_114 : memref<1x128xi32, #tpu.memory_space<vmem>> -> memref<128xi32, #tpu.memory_space<vmem>>
        %dma_start3A_116 = arith.constant 0 : i32
        %dma_start3A_117 = arith.constant 0 : i32
        %dma_start3A_118 = tpu.memref_slice %arg3[%dma_start3A_116, %dma_start3A_117] : memref<1000000x32xf32, #tpu.memory_space<hbm>> -> memref<1000000x32xf32, #tpu.memory_space<hbm>>
        tpu.enqueue_indirect_dma source(%dma_start3A_118 : memref<1000000x32xf32, #tpu.memory_space<hbm>>) target(%dma_start3A_112 : memref<128x32xf32, #tpu.memory_space<vmem>>) offsets(%dma_start3A_115 : memref<128xi32, #tpu.memory_space<vmem>>) semaphore(%arg11 : memref<!tpu.dma_semaphore, #tpu.memory_space<semaphore_mem>>)
        %mul3A_119 = arith.constant 8 : i32
        %mul3A_120 = arith.muli %add3A_41, %mul3A_119 : i32
        %add3A_121 = arith.constant 5 : i32
        %add3A_122 = arith.addi %mul3A_120, %add3A_121 : i32
        %dma_start3A_123 = arith.constant 640 : i32
        %dma_start3A_124 = arith.constant 0 : i32
        %dma_start3A_125 = tpu.memref_slice %arg8[%dma_start3A_123, %dma_start3A_124] : memref<1024x32xf32, #tpu.memory_space<vmem>> -> memref<128x32xf32, #tpu.memory_space<vmem>>
        %dma_start3A_126 = arith.constant 0 : i32
        %dma_start3A_127 = tpu.memref_slice %arg5[%add3A_122, %dma_start3A_126] : memref<200x128xi32, #tpu.memory_space<vmem>> -> memref<1x128xi32, #tpu.memory_space<vmem>>
        %dma_start3A_128 = tpu.memref_squeeze %dma_start3A_127 : memref<1x128xi32, #tpu.memory_space<vmem>> -> memref<128xi32, #tpu.memory_space<vmem>>
        %dma_start3A_129 = arith.constant 0 : i32
        %dma_start3A_130 = arith.constant 0 : i32
        %dma_start3A_131 = tpu.memref_slice %arg3[%dma_start3A_129, %dma_start3A_130] : memref<1000000x32xf32, #tpu.memory_space<hbm>> -> memref<1000000x32xf32, #tpu.memory_space<hbm>>
        tpu.enqueue_indirect_dma source(%dma_start3A_131 : memref<1000000x32xf32, #tpu.memory_space<hbm>>) target(%dma_start3A_125 : memref<128x32xf32, #tpu.memory_space<vmem>>) offsets(%dma_start3A_128 : memref<128xi32, #tpu.memory_space<vmem>>) semaphore(%arg11 : memref<!tpu.dma_semaphore, #tpu.memory_space<semaphore_mem>>)
        %mul3A_132 = arith.constant 8 : i32
        %mul3A_133 = arith.muli %add3A_41, %mul3A_132 : i32
        %add3A_134 = arith.constant 6 : i32
        %add3A_135 = arith.addi %mul3A_133, %add3A_134 : i32
        %dma_start3A_136 = arith.constant 768 : i32
        %dma_start3A_137 = arith.constant 0 : i32
        %dma_start3A_138 = tpu.memref_slice %arg8[%dma_start3A_136, %dma_start3A_137] : memref<1024x32xf32, #tpu.memory_space<vmem>> -> memref<128x32xf32, #tpu.memory_space<vmem>>
        %dma_start3A_139 = arith.constant 0 : i32
        %dma_start3A_140 = tpu.memref_slice %arg5[%add3A_135, %dma_start3A_139] : memref<200x128xi32, #tpu.memory_space<vmem>> -> memref<1x128xi32, #tpu.memory_space<vmem>>
        %dma_start3A_141 = tpu.memref_squeeze %dma_start3A_140 : memref<1x128xi32, #tpu.memory_space<vmem>> -> memref<128xi32, #tpu.memory_space<vmem>>
        %dma_start3A_142 = arith.constant 0 : i32
        %dma_start3A_143 = arith.constant 0 : i32
        %dma_start3A_144 = tpu.memref_slice %arg3[%dma_start3A_142, %dma_start3A_143] : memref<1000000x32xf32, #tpu.memory_space<hbm>> -> memref<1000000x32xf32, #tpu.memory_space<hbm>>
        tpu.enqueue_indirect_dma source(%dma_start3A_144 : memref<1000000x32xf32, #tpu.memory_space<hbm>>) target(%dma_start3A_138 : memref<128x32xf32, #tpu.memory_space<vmem>>) offsets(%dma_start3A_141 : memref<128xi32, #tpu.memory_space<vmem>>) semaphore(%arg11 : memref<!tpu.dma_semaphore, #tpu.memory_space<semaphore_mem>>)
        %mul3A_145 = arith.constant 8 : i32
        %mul3A_146 = arith.muli %add3A_41, %mul3A_145 : i32
        %add3A_147 = arith.constant 7 : i32
        %add3A_148 = arith.addi %mul3A_146, %add3A_147 : i32
        %dma_start3A_149 = arith.constant 896 : i32
        %dma_start3A_150 = arith.constant 0 : i32
        %dma_start3A_151 = tpu.memref_slice %arg8[%dma_start3A_149, %dma_start3A_150] : memref<1024x32xf32, #tpu.memory_space<vmem>> -> memref<128x32xf32, #tpu.memory_space<vmem>>
        %dma_start3A_152 = arith.constant 0 : i32
        %dma_start3A_153 = tpu.memref_slice %arg5[%add3A_148, %dma_start3A_152] : memref<200x128xi32, #tpu.memory_space<vmem>> -> memref<1x128xi32, #tpu.memory_space<vmem>>
        %dma_start3A_154 = tpu.memref_squeeze %dma_start3A_153 : memref<1x128xi32, #tpu.memory_space<vmem>> -> memref<128xi32, #tpu.memory_space<vmem>>
        %dma_start3A_155 = arith.constant 0 : i32
        %dma_start3A_156 = arith.constant 0 : i32
        %dma_start3A_157 = tpu.memref_slice %arg3[%dma_start3A_155, %dma_start3A_156] : memref<1000000x32xf32, #tpu.memory_space<hbm>> -> memref<1000000x32xf32, #tpu.memory_space<hbm>>
        tpu.enqueue_indirect_dma source(%dma_start3A_157 : memref<1000000x32xf32, #tpu.memory_space<hbm>>) target(%dma_start3A_151 : memref<128x32xf32, #tpu.memory_space<vmem>>) offsets(%dma_start3A_154 : memref<128xi32, #tpu.memory_space<vmem>>) semaphore(%arg11 : memref<!tpu.dma_semaphore, #tpu.memory_space<semaphore_mem>>)
      } else {
      }
      %ge3A_47 = arith.constant 1 : i32
      %ge3A_48 = arith.cmpi sge, %add3A_41, %ge3A_47 : i32
      %lt3A_49 = arith.constant 26 : i32
      %lt3A_50 = arith.cmpi slt, %add3A_41, %lt3A_49 : i32
      %and3A_51 = arith.andi %ge3A_48, %lt3A_50 : i1
      %convert_element_type3A_52 = arith.extui %and3A_51 : i1 to i32
      %cond3A_53 = arith.constant 0 : i32
      %cond3A_54 = arith.cmpi ne, %convert_element_type3A_52, %cond3A_53 : i32
      scf.if %cond3A_54 {
        %sub3A = arith.constant 1 : i32
        %sub3A_55 = arith.subi %add3A_41, %sub3A : i32
        %mul3A_56 = arith.constant 8 : i32
        %mul3A_57 = arith.muli %sub3A_55, %mul3A_56 : i32
        %add3A_58 = arith.addi %mul3A_2, %mul3A_57 : i32
        %mul3A_59 = arith.constant 128 : i32
        %mul3A_60 = arith.muli %add3A_58, %mul3A_59 : i32
        %dma_wait3A = arith.constant 0 : i32
        %dma_wait3A_61 = tpu.memref_slice %arg4[%mul3A_60, %dma_wait3A] : memref<819200x128xf32, #tpu.memory_space<hbm>> -> memref<1024x32xf32, #tpu.memory_space<hbm>>
        %dma_wait3A_62 = arith.constant 0 : i32
        %dma_wait3A_63 = tpu.memref_slice %arg4[%mul3A_60, %dma_wait3A_62] : memref<819200x128xf32, #tpu.memory_space<hbm>> -> memref<1024x32xf32, #tpu.memory_space<hbm>>
        tpu.wait_dma2 semaphore(%arg10 : memref<!tpu.dma_semaphore, #tpu.memory_space<semaphore_mem>>) src(%dma_wait3A_63 : memref<1024x32xf32, #tpu.memory_space<hbm>>) dst(%arg7 : memref<1024x32xf32, #tpu.memory_space<vmem>>)
        %mul3A_64 = arith.constant 8 : i32
        %mul3A_65 = arith.muli %sub3A_55, %mul3A_64 : i32
        %add3A_66 = arith.addi %mul3A_2, %mul3A_65 : i32
        %mul3A_67 = arith.constant 128 : i32
        %mul3A_68 = arith.muli %add3A_66, %mul3A_67 : i32
        "tpu.region"() ({
          %run_scoped3A = tpu.sem_alloc : memref<!tpu.dma_semaphore, #tpu.memory_space<semaphore_mem>>
          %dma_start3A = arith.constant 0 : i32
          %dma_start3A_69 = tpu.memref_slice %arg4[%mul3A_68, %dma_start3A] : memref<819200x128xf32, #tpu.memory_space<hbm>> -> memref<1024x32xf32, #tpu.memory_space<hbm>>
          %dma_start3A_70 = arith.constant 0 : i32
          %dma_start3A_71 = tpu.memref_slice %arg4[%mul3A_68, %dma_start3A_70] : memref<819200x128xf32, #tpu.memory_space<hbm>> -> memref<1024x32xf32, #tpu.memory_space<hbm>>
          tpu.enqueue_dma source(%arg7 : memref<1024x32xf32, #tpu.memory_space<vmem>>) target(%dma_start3A_71 : memref<1024x32xf32, #tpu.memory_space<hbm>>) target_semaphore(%run_scoped3A : memref<!tpu.dma_semaphore, #tpu.memory_space<semaphore_mem>>)
          %dma_wait3A_72 = arith.constant 0 : i32
          %dma_wait3A_73 = tpu.memref_slice %arg4[%mul3A_68, %dma_wait3A_72] : memref<819200x128xf32, #tpu.memory_space<hbm>> -> memref<1024x32xf32, #tpu.memory_space<hbm>>
          %dma_wait3A_74 = arith.constant 0 : i32
          %dma_wait3A_75 = tpu.memref_slice %arg4[%mul3A_68, %dma_wait3A_74] : memref<819200x128xf32, #tpu.memory_space<hbm>> -> memref<1024x32xf32, #tpu.memory_space<hbm>>
          tpu.wait_dma2 semaphore(%run_scoped3A : memref<!tpu.dma_semaphore, #tpu.memory_space<semaphore_mem>>) src(%arg7 : memref<1024x32xf32, #tpu.memory_space<vmem>>) dst(%dma_wait3A_75 : memref<1024x32xf32, #tpu.memory_space<hbm>>)
          tpu.yield
        }) : () -> ()
      } else {
      }
    }
    %scan3A_7 = arith.constant 9 : i32
    return
  }
}

</mosaic_0001>

<sc_bundles>
// kernel: _gather.3.cloned.1.call-start
scs
__scs_entry_jumppad:
0x0: {  	(pc) =	sbr.rel $0x88, $3  }
0x1: {  	(tag) =	ssettag $0x0;
	lr =	simm.s32 $0x1  }
0x2: {  	[smem:$0x3F9F] =	sst lr;
	_ =	strace $0xD0000000  }
0x3: {  	_ = 	snop  }
0x4: {  	_ = 	snop  }
0x5: {  	_ = 	snop  }
0x6: {  	_ = 	snop  }
0x7: {  	_ = 	snop  }
__scs_overlays_trampoline_lowered:
0x8: {  	[smem:$0x3FAE] =	sst s0  }
0x9: {  	[smem:$0x3FAF] =	sst s1  }
0xa: {  	[smem:$0x3FB0] =	sst s2  }
0xb: {  	[smem:$0x3FB1] =	sst s3  }
0xc: {  	[smem:$0x3FB2] =	sst s4  }
0xd: {  	[smem:$0x3FB3] =	sst s5  }
0xe: {  	[smem:$0x3FB4] =	sst s6  }
0xf: {  	[smem:$0x3FB5] =	sst s7  }
0x10: {  	[smem:$0x3FB6] =	sst s8  }
0x11: {  	[smem:$0x3FB7] =	sst s9;
	s0 =	simm.s32 @!p0 $0x0  }
0x12: {  	s1 =	sld [smem:$0x3F9D];
	s0 =	simm.s32 @p0 $0x1  }
0x13: {  	[smem:$0x3FB8] =	sst s0;
	s0 =	simm.s32 @!p1 $0x0  }
0x14: {  	s2 =	sld [smem:$0x3F9C];
	s0 =	simm.s32 @p1 $0x1  }
0x15: {  	[smem:$0x3FB9] =	sst s0;
	s0 =	simm.s32 @!p2 $0x0  }
0x16: {  	s3 =	sld [smem:$0x3FDB];
	s0 =	simm.s32 @p2 $0x1  }
0x17: {  	s4 =	simm.s32 $0x1BF5;
	[smem:$0x3FBB] =	sst s0  }
0x18: {  	s0 =	sld [smem:$0x3F9E];
	_ =	swait.ge [sflag:s4], $0x0  }
0x19: {  	s7 =	sld [smem:$0x3F9F]  }
0x1a: {  	s8 =	sadd.s32 $0xFFFFE003, lr  }
0x1b: {  	s9 =	sadd.s32 $0xFFFFFEF7, lr;
	s5 =	simm.s32 $0xFFFFFFFF;
	p2 =	slt.u32 s8, $0xFFFFF086  }
0x1c: {  	p1 =	slt.u32 s9, $0xF7A;
	s5 =	simm.s32 @!p2 $0x0  }
0x1d: {  	s5 =	simm.s32 @p1 $0x1;
	p0 =	seq.s32 s7, s2  }
0x1e: {  	s7 =	smul.u32 @!p0 $0xF7A, s2;
	p2 =	seq.s32 @!p0 s5, $0x0  }
0x1f: {  	s9 =	smul.u32 $0xF7A, s1;
	s8 =	simm.s32 @!p0 $0x1BF5;
	p2 =	por !p2, p0  }
0x20: {  	[sflag:s8] =	ssyncset.s32 @!p0 $0xFFFFF086;
	s6 =	sadd.s32 @!p0 s3, s7;
	s7 =	simm.s32 @!p0 $0x108  }
0x21: {  	s3 =	sadd.s32 s3, s9;
	s6 =	sadd.s32 @!p0 $0x88, s6;
	s7 =	simm.s32 @p2 $0x1082  }
0x22: {  	[simem:s7], [sflag:s8] =	dma.local @!p0 [hbm:s6], $0xF7A  }
0x23: {  	s9 =	sor.u32 $0xD0000000, s2;
	s6 =	simm.s32 $0x108;
	_ =	swait.ge @!p0 [sflag:s8], $0x0  }
0x24: {  	s3 =	sadd.s32 $0x88, s3;
	s6 =	simm.s32 @!p1 $0x1082;
	[sflag:s4] =	ssyncset.s32 $0xFFFFF086  }
0x25: {  	[simem:s6], [sflag:s4] =	dma.local [hbm:s3], $0xF7A  }
0x26: {  	[smem:$0x3F9F] =	sst s1;
	(tag) =	ssettag s2;
	_ =	strace s9  }
0x27: {  	s1 =	sld [smem:$0x3FAF]  }
0x28: {  	s2 =	sld [smem:$0x3FB0]  }
0x29: {  	s4 =	sld [smem:$0x3FB2]  }
0x2a: {  	p0 =	seq.s32 s5, $0x0;
	s5 =	sld [smem:$0x3FB3]  }
0x2b: {  	s6 =	sld [smem:$0x3FB4]  }
0x2c: {  	s7 =	sld [smem:$0x3FB5]  }
0x2d: {  	s3 =	simm.s32 $0x108;
	s8 =	sld [smem:$0x3FB6]  }
0x2e: {  	s3 =	simm.s32 @!p0 $0x1082;
	s9 =	sld [smem:$0x3FB7]  }
0x2f: {  	lr =	sadd.s32 s0, s3;
	s0 =	sld [smem:$0x3FAE]  }
0x30: {  	s3 =	sld [smem:$0x3FB1]  }
0x31: {  	[smem:$0x3FBA] =	sst s10  }
0x32: {  	s10 =	sld [smem:$0x3FB8];
	_ =	sdelay $0x3  }
0x33: {  	p0 =	seq.s32 s10, $0x1;
	s10 =	sld [smem:$0x3FBA];
	_ =	sdelay $0x3  }
0x34: {  	[smem:$0x3FBA] =	sst s10  }
0x35: {  	s10 =	sld [smem:$0x3FB9];
	_ =	sdelay $0x3  }
0x36: {  	p1 =	seq.s32 s10, $0x1;
	s10 =	sld [smem:$0x3FBA];
	_ =	sdelay $0x3  }
0x37: {  	[smem:$0x3FBA] =	sst s10  }
0x38: {  	s10 =	sld [smem:$0x3FBB]  }
0x39: {  	_ = 	snop;
	(pc) =	sbr.ind lr, $3  }
0x3a: {  	_ = 	snop  }
0x3b: {  	_ = 	snop  }
0x3c: {  	p2 =	seq.s32 s10, $0x1;
	s10 =	sld [smem:$0x3FBA]  }
0x3d: {  	_ =	shalt  }
0x3e: {  	_ =	shalt  }
0x3f: {  	_ =	shalt  }
0x40: {  	_ =	shalt  }
0x41: {  	_ =	shalt  }
0x42: {  	_ =	shalt  }
0x43: {  	_ =	shalt  }
0x44: {  	_ =	shalt  }
0x45: {  	_ =	shalt  }
0x46: {  	_ =	shalt  }
0x47: {  	_ =	shalt  }
0x48: {  	_ =	shalt  }
0x49: {  	_ =	shalt  }
0x4a: {  	_ =	shalt  }
0x4b: {  	_ =	shalt  }
0x4c: {  	_ =	shalt  }
0x4d: {  	_ =	shalt  }
0x4e: {  	_ =	shalt  }
0x4f: {  	_ =	shalt  }
0x50: {  	_ =	shalt  }
0x51: {  	_ =	shalt  }
0x52: {  	_ =	shalt  }
0x53: {  	_ =	shalt  }
0x54: {  	_ =	shalt  }
0x55: {  	_ =	shalt  }
0x56: {  	_ =	shalt  }
0x57: {  	_ =	shalt  }
0x58: {  	_ =	shalt  }
0x59: {  	_ =	shalt  }
0x5a: {  	_ =	shalt  }
0x5b: {  	_ =	shalt  }
0x5c: {  	_ =	shalt  }
0x5d: {  	_ =	shalt  }
0x5e: {  	_ =	shalt  }
0x5f: {  	_ =	shalt  }
0x60: {  	_ =	shalt  }
0x61: {  	_ =	shalt  }
0x62: {  	_ =	shalt  }
0x63: {  	_ =	shalt  }
0x64: {  	_ =	shalt  }
0x65: {  	_ =	shalt  }
0x66: {  	_ =	shalt  }
0x67: {  	_ =	shalt  }
0x68: {  	_ =	shalt  }
0x69: {  	_ =	shalt  }
0x6a: {  	_ =	shalt  }
0x6b: {  	_ =	shalt  }
0x6c: {  	_ =	shalt  }
0x6d: {  	_ =	shalt  }
0x6e: {  	_ =	shalt  }
0x6f: {  	_ =	shalt  }
0x70: {  	_ =	shalt  }
0x71: {  	_ =	shalt  }
0x72: {  	_ =	shalt  }
0x73: {  	_ =	shalt  }
0x74: {  	_ =	shalt  }
0x75: {  	_ =	shalt  }
0x76: {  	_ =	shalt  }
0x77: {  	_ =	shalt  }
0x78: {  	_ =	shalt  }
0x79: {  	_ =	shalt  }
0x7a: {  	_ =	shalt  }
0x7b: {  	_ =	shalt  }
0x7c: {  	_ =	shalt  }
0x7d: {  	_ =	shalt  }
0x7e: {  	_ =	shalt  }
0x7f: {  	_ =	shalt  }
0x80: {  	_ =	shalt  }
0x81: {  	_ =	shalt  }
0x82: {  	_ =	shalt  }
0x83: {  	_ =	shalt  }
0x84: {  	_ =	shalt  }
0x85: {  	_ =	shalt  }
0x86: {  	_ =	shalt  }
0x87: {  	_ =	shalt  }
.Lfunc_end0:
.L_simem_size_0:
called_computation_lowered:
.L_overlay_start_0:
0x88: {  	s2 =	sld [smem:$0x3FD9]  }
0x89: {  	s3 =	sld [smem:$0x3FFE];
	_ =	sdelay $0x1  }
0x8a: {  	s1 =	srdreg.scid  }
0x8b: {  	s0 =	sand.u32 $0x1, s1  }
0x8c: {  	s17 =	sshll.u32 s0, $0xA;
	s2 =	sadd.s32 s3, s2  }
0x8d: {  	s2 =	sadd.s32 s2, s17  }
0x8e: {  	[smem:$0x3FC6] =	sst s2  }
0x8f: {  	_ = 	snop  }
0x90: {  	s2 =	sld [smem:$0x3FC9]  }
0x91: {  	s18 =	sld [smem:$0x3FD0];
	(tm) =	ssettm $0x1  }
0x92: {  	s4 =	sld [smem:$0x3FFB];
	_ =	sdelay $0x3  }
0x93: {  	_ =	strace s4  }
0x94: {  	s4 =	sld [smem:$0x3FFC];
	_ =	sdelay $0x3  }
0x95: {  	_ =	strace s4  }
0x96: {  	s4 =	sld [smem:$0x3FFD];
	_ =	sdelay $0x3  }
0x97: {  	_ =	strace s4  }
0x98: {  	_ =	strace $0x8FFFFFFF  }
0x99: {  	s19 =	sld [smem:$0x3FDB];
	_ =	sdelay $0x1  }
0x9a: {  	s5 =	simm.s32 $_scs_section_size  }
0x9b: {  	s6 =	simm.s32 $_size__tile_overlayer_lowered;
	s7 =	simm.s32 $_tile_overlayer_lowered  }
0x9c: {  	s22 =	simm.s32 $0x1BFF;
	s21 =	sshll.u32 s7, $0x1;
	s4 =	sadd.s32 s5, s19  }
0x9d: {  	s8 =	simm.s32 $0x0;
	s20 =	sshll.u32 s6, $0x1;
	s6 =	sadd.s32 s21, s4  }
0x9e: {  	[timem:s8], [sflag:s22] =	dma.local [hbm:s6], s20  }
0x9f: {  	_ =	swait.ge [sflag:s22], s20  }
0xa0: {  	s5 =	ssub.s32 $0x0, s20;
	[sflag:s22] =	ssyncset.done $0x0  }
0xa1: {  	[sflag:s22] =	ssyncadd.s32 s5;
	_ =	sdelay $0x1  }
0xa2: {  	s23 =	simm.s32 $0x1B8B  }
0xa3: {  	_ =	swait.ge [sflag:s23], $0x1  }
0xa4: {  	[sflag:s23] =	ssyncset.done $0x0  }
0xa5: {  	s25 =	simm.s32 $0x1B8E;
	s24 =	sld [smem:$0x3FFE];
	[sflag:s23] =	ssyncadd.s32 $0xFFFFFFFF  }
0xa6: {  	s26 =	simm.s32 $execute0_lowered;
	[smem:$0x3FD2] =	sst s25  }
0xa7: {  	s6 =	sshll.u32 s26, $0x1;
	_ =	strace $0x80000046;
	[dreg:$0x1] =	wrdreg $0xFFFFFFFF  }
0xa8: {  	s28 =	simm.s32 $_size_execute0_lowered;
	s4 =	sadd.s32 s4, s6;
	[dreg:$0x0] =	wrdreg $0x0  }
0xa9: {  	s6 =	sshll.u32 s28, $0x1;
	[dreg:$0x2] =	wrdreg s4  }
0xaa: {  	[dreg:$0x3] =	wrdreg s6  }
0xab: {  	[dreg:$0x4] =	wrdreg $0xC0  }
0xac: {  	_ =	task [dreg:s8], $0x5FFFF  }
0xad: {  	[dreg:$0x1] =	wrdreg $0xFFFFFFFF  }
0xae: {  	[dreg:$0x0] =	wrdreg $0x60  }
0xaf: {  	[dreg:$0x2] =	wrdreg s2  }
0xb0: {  	[dreg:$0x3] =	wrdreg s24  }
0xb1: {  	[dreg:$0x4] =	wrdreg s18  }
0xb2: {  	[dreg:$0x5] =	wrdreg $0x9  }
0xb3: {  	_ =	task.clear_ibuf [dreg:s8], $0x6FFFF;
	_ =	strace $0x90000046  }
0xb4: {  	s29 =	simm.s32 $0x9;
	_ =	strace $0x80000048  }
0xb5: {  	_ =	swait.ge [sflag:s29], $0x1  }
0xb6: {  	[sflag:s29] =	ssyncadd.s32 $0xFFFFFFFF  }
0xb7: {  	_ =	strace $0x90000048  }
0xb8: {  	_ =	sfence  }
0xb9: {  	s30 =	sld [smem:$0x0];
	_ =	sdelay $0x2  }
0xba: {  	s31 =	sshll.u32 s1, $0xD;
	s1 =	sshrl.u32 s1, $0x2  }
0xbb: {  	s3 =	sand.u32 $0x4000, s31;
	s1 =	sadd.s32 s1, s30  }
0xbc: {  	s0 =	sor.u32 s3, s0;
	s1 =	sshll.u32 s1, $0x11  }
0xbd: {  	s0 =	sor.u32 s1, s0  }
0xbe: {  	s0 =	sadd.s32 $0x8F2B, s0  }
0xbf: {  	[sflag:s0] =	ssyncadd.remote.s32 $0x1  }
0xc0: {  	_ =	sfence.sel $0xFFFF  }
0xc1: {  	[dreg:$0x0] =	wrdreg $0xFFFFFFFF;
	(pc) =	sbr.abs _section_cstart, $3  }
0xc2: {  	[dreg:$0x1] =	wrdreg $0xFFFFFFFF  }
0xc3: {  	_ =	task.clear_ibuf [dreg:s8], $0x2FFFF;
	_ =	strace $0x9FFFFFFF  }
0xc4: {  	(tm) =	ssettm $0x7FFFFFFF  }
0xc5: {  	_ =	shalt  }
tec
execute0_lowered:
.L_overlay_start_1:
0x0: {  	(tag) =	ssettag $0x1  }
0x1: {  	s0 =	rddreg [dreg:$0x0];
	s1 =	srdreg.scid  }
0x2: {  	s8 =	stileid.u32;
	s3 =	rddreg [dreg:$0x1]  }
0x3: {  	s2 =	rddreg [dreg:$0x2];
	s6 =	simm.s32 $0x0;
	s10 =	simm.s32 $0x80  }
0x4: {  	s11 =	simm.s32 $0x6400;
	s15 =	simm.s32 $0xA400;
	s16 =	simm.s32 $0xB400  }
0x5: {  	s17 =	simm.s32 $0xC400;
	s18 =	simm.s32 $0xD400;
	s19 =	simm.s32 $0x1  }
0x6: {  	s20 =	simm.s32 $0x20;
	s21 =	simm.s32 $0x5;
	s22 =	simm.s32 $0x16400  }
0x7: {  	s23 =	simm.s32 $0x17400;
	s28 =	simm.s32 $0x1B400;
	s29 =	simm.s32 $0x1C400  }
0x8: {  	s30 =	simm.s32 $0x1D400;
	s31 =	simm.s32 $0x2;
	s24 =	smul.u32 $0x640000, s8  }
0x9: {  	s1 =	sand.u32 $0x1, s1;
	s4 =	sshll.u32 s8, $0x1;
	s8 =	smul.u32 $0xC8000, s8  }
0xa: {  	[smem:$0x7FF] =	sst s6;
	s4 =	sor.u32 s1, s4;
	s7 =	smul.u32 $0x320000, s1  }
0xb: {  	_ =	strace $0x80000047;
	s25 =	ssub.s32 $0x2, s1;
	s1 =	smul.u32 $0x64000, s1  }
0xc: {  	s5 =	smul.u32 $0xC80, s4;
	s4 =	sadd.s32 $0xF42800, s3;
	s9 =	sshrl.u32 s25, $0x1  }
0xd: {  	s6 =	sadd.s32 s7, s24;
	s3 =	ssub.s32 s25, s9;
	s1 =	sadd.s32 s1, s8  }
.Ltmp0:
0xe: {  	s9 =	simm.s32 $0x4;
	s24 =	simm.s32 $0x18400;
	(pc) =	sbr.rel .LBB2_1-.Ltmp0, $4  }
0xf: {  	s25 =	simm.s32 $0x19400;
	s0 =	sadd.s32 s0, s5;
	[dreg:$0x6] =	wrdreg s1  }
0x10: {  	s26 =	sadd.s32 $0x20000, s6;
	s3 =	smax.u32 s3, $0x1;
	[dreg:$0x4] =	wrdreg s0  }
0x11: {  	s1 =	simm.s32 $0xE400;
	[dreg:$0x5] =	wrdreg s3;
	s0 =	sshrl.u32 s26, $0x3  }
0x12: {  	s26 =	simm.s32 $0x1A400;
	s3 =	simm.s32 $0x0;
	[dreg:$0x7] =	wrdreg s0  }
.LBB2_4:
0x13: {  	s3 =	rddreg [dreg:$0x8]  }
0x14: {  	s0 =	rddreg [dreg:$0x5];
	s3 =	sadd.s32 $0x1, s3  }
0x15: {  	p0 =	sne.s32 s3, s0  }
.Ltmp1:
0x16: {  	_ = 	snop;
	(pc) =	sbr.rel @!p0 .LBB2_5-.Ltmp1, $1  }
0x17: {  	_ =	sdelay $0x3  }
.LBB2_1:
0x18: {  	[dreg:$0x8] =	wrdreg s3  }
0x19: {  	s0 =	simm.s32 $0x0;
	s14 =	rddreg [dreg:$0x4]  }
0x1a: {  	[tilespmem:s0], [sflag:$0x4] =	stream.linear.gather [hbm4b:s14+s0], $0x6400, $0x38;
	[tilespmem:$0x1E400] =	vst v63  }
0x1b: {  	_ =	swait.ge [sflag:s9], $0x6400  }
0x1c: {  	s3 =	simm.s32 $0xFFFFFFFF;
	[sflag:s9] =	ssyncset.done $0x0;
	s8 =	rddreg [dreg:$0x7]  }
0x1d: {  	s6 =	simm.s32 $0x0;
	s7 =	rddreg [dreg:$0x6];
	[sflag:s9] =	ssyncadd.s32 $0xFFFF9C00  }
.LBB2_2:
0x1e: {  	s5 =	sshra.s32 s6, $0x2  }
0x1f: {  	[tilespmem:s11], [sflag:$0x1] =	stream.indirect.gather [hbm4b:s4+s10], $0x20, s5, s10, $0xb8;
	[tilespmem:$0x1E400] =	vst v63  }
0x20: {  	s12 =	simm.s32 $0x7400;
	s0 =	sadd.s32 $0x80, s5  }
0x21: {  	[tilespmem:s12], [sflag:$0x1] =	stream.indirect.gather [hbm4b:s4+s10], $0x20, s0, s10, $0xb8;
	[tilespmem:$0x1E400] =	vst v63  }
0x22: {  	s14 =	simm.s32 $0x8400;
	s13 =	sadd.s32 $0x100, s5  }
0x23: {  	[tilespmem:s14], [sflag:$0x1] =	stream.indirect.gather [hbm4b:s4+s10], $0x20, s13, s10, $0xb8;
	[tilespmem:$0x1E400] =	vst v63  }
0x24: {  	s13 =	sadd.s32 $0x180, s5;
	s14 =	simm.s32 $0x9400  }
0x25: {  	[tilespmem:s14], [sflag:$0x1] =	stream.indirect.gather [hbm4b:s4+s10], $0x20, s13, s10, $0xb8;
	[tilespmem:$0x1E400] =	vst v63  }
0x26: {  	s13 =	sadd.s32 $0x200, s5  }
0x27: {  	[tilespmem:s15], [sflag:$0x1] =	stream.indirect.gather [hbm4b:s4+s10], $0x20, s13, s10, $0xb8;
	[tilespmem:$0x1E400] =	vst v63  }
0x28: {  	s14 =	sadd.s32 $0x280, s5  }
0x29: {  	[tilespmem:s16], [sflag:$0x1] =	stream.indirect.gather [hbm4b:s4+s10], $0x20, s14, s10, $0xb8;
	[tilespmem:$0x1E400] =	vst v63  }
0x2a: {  	p1 =	sgt.u32 s3, $0x18;
	s12 =	sadd.s32 $0x300, s5  }
0x2b: {  	[tilespmem:s17], [sflag:$0x1] =	stream.indirect.gather [hbm4b:s4+s10], $0x20, s12, s10, $0xb8;
	[tilespmem:$0x1E400] =	vst v63  }
0x2c: {  	s0 =	simm.s32 @!p1 $0x3;
	s13 =	sadd.s32 $0x380, s5;
	s12 =	sadd.s32 @!p1 $0x1FFFC000, s7  }
0x2d: {  	[tilespmem:s18], [sflag:$0x1] =	stream.indirect.gather [hbm4b:s4+s10], $0x20, s13, s10, $0xb8;
	[tilespmem:$0x1E400] =	vst v63  }
0x2e: {  	s12 =	sand.u32 @!p1 $0x1FFFC000, s12;
	_ =	swait.ge @!p1 [sflag:s0], $0x8000  }
0x2f: {  	s14 =	simm.s32 @!p1 $0x16400;
	s12 =	sadd.s32 @!p1 s2, s12;
	[sflag:s0] =	ssyncset.done @!p1 $0x0  }
0x30: {  	s13 =	simm.s32 @!p1 $0x80;
	[sflag:s0] =	ssyncadd.s32 @!p1 $0xFFFF8000;
	s0 =	simm.s32 @!p1 $0x20  }
0x31: {  	[hbm4b:s12+s0] =	stream.strided.scatter @!p1 [tilespmem:s14], [sflag:$0x5], $0x8000, s13, s0, $0x38;
	[tilespmem:$0x1E400] =	vst v63  }
0x32: {  	s0 =	simm.s32 @!p1 $0x5  }
0x33: {  	_ =	swait.ge @!p1 [sflag:s0], $0x8000  }
0x34: {  	p0 =	seq.s32 s6, $0x18000;
	[sflag:s0] =	ssyncset.done @!p1 $0x0  }
0x35: {  	[sflag:s0] =	ssyncadd.s32 @!p1 $0xFFFF8000;
	s0 =	sshra.s32 @!p0 s6, $0x2  }
0x36: {  	s13 =	simm.s32 @!p0 $0x80;
	s14 =	simm.s32 @!p0 $0xE400;
	s12 =	sadd.s32 @!p0 $0x400, s0  }
0x37: {  	[tilespmem:s14], [sflag:$0x2] =	stream.indirect.gather @!p0 [hbm4b:s4+s13], $0x20, s12, s13, $0xb8;
	[tilespmem:$0x1E400] =	vst v63  }
0x38: {  	s12 =	sadd.s32 @!p0 $0x480, s0;
	s14 =	simm.s32 @!p0 $0xF400  }
0x39: {  	[tilespmem:s14], [sflag:$0x2] =	stream.indirect.gather @!p0 [hbm4b:s4+s13], $0x20, s12, s13, $0xb8;
	[tilespmem:$0x1E400] =	vst v63  }
0x3a: {  	s12 =	sadd.s32 @!p0 $0x500, s0;
	s14 =	simm.s32 @!p0 $0x10400  }
0x3b: {  	[tilespmem:s14], [sflag:$0x2] =	stream.indirect.gather @!p0 [hbm4b:s4+s13], $0x20, s12, s13, $0xb8;
	[tilespmem:$0x1E400] =	vst v63  }
0x3c: {  	s12 =	sadd.s32 @!p0 $0x580, s0;
	s14 =	simm.s32 @!p0 $0x11400  }
0x3d: {  	[tilespmem:s14], [sflag:$0x2] =	stream.indirect.gather @!p0 [hbm4b:s4+s13], $0x20, s12, s13, $0xb8;
	[tilespmem:$0x1E400] =	vst v63  }
0x3e: {  	s12 =	sadd.s32 @!p0 $0x600, s0;
	s14 =	simm.s32 @!p0 $0x12400  }
0x3f: {  	[tilespmem:s14], [sflag:$0x2] =	stream.indirect.gather @!p0 [hbm4b:s4+s13], $0x20, s12, s13, $0xb8;
	[tilespmem:$0x1E400] =	vst v63  }
0x40: {  	s12 =	sadd.s32 @!p0 $0x680, s0;
	s14 =	simm.s32 @!p0 $0x13400  }
0x41: {  	[tilespmem:s14], [sflag:$0x2] =	stream.indirect.gather @!p0 [hbm4b:s4+s13], $0x20, s12, s13, $0xb8;
	[tilespmem:$0x1E400] =	vst v63  }
0x42: {  	s12 =	sadd.s32 @!p0 $0x700, s0;
	s14 =	simm.s32 @!p0 $0x14400  }
0x43: {  	[tilespmem:s14], [sflag:$0x2] =	stream.indirect.gather @!p0 [hbm4b:s4+s13], $0x20, s12, s13, $0xb8;
	[tilespmem:$0x1E400] =	vst v63  }
0x44: {  	s0 =	sadd.s32 @!p0 $0x780, s0;
	s12 =	simm.s32 @!p0 $0x15400  }
0x45: {  	[tilespmem:s12], [sflag:$0x2] =	stream.indirect.gather @!p0 [hbm4b:s4+s13], $0x20, s0, s13, $0xb8;
	[tilespmem:$0x1E400] =	vst v63  }
0x46: {  	_ =	swait.ge [sflag:s19], $0x8000  }
0x47: {  	[sflag:s19] =	ssyncset.done $0x0  }
.Ltmp2:
0x48: {  	s14 =	sadd.s32 s7, s2;
	[sflag:s19] =	ssyncadd.s32 $0xFFFF8000;
	(pc) =	sbr.rel @p0 .LBB2_4-.Ltmp2, $4  }
0x49: {  	[hbm4b:s14+s20] =	stream.strided.scatter [tilespmem:s11], [sflag:$0x5], $0x8000, s10, s20, $0x38;
	[tilespmem:$0x1E400] =	vst v63  }
0x4a: {  	_ =	swait.ge [sflag:s21], $0x8000  }
0x4b: {  	[sflag:s21] =	ssyncset.done $0x0  }
0x4c: {  	[sflag:s21] =	ssyncadd.s32 $0xFFFF8000  }
0x4d: {  	s0 =	sadd.s32 $0x800, s5  }
0x4e: {  	[tilespmem:s22], [sflag:$0x3] =	stream.indirect.gather [hbm4b:s4+s10], $0x20, s0, s10, $0xb8;
	[tilespmem:$0x1E400] =	vst v63  }
0x4f: {  	s13 =	sadd.s32 $0x880, s5  }
0x50: {  	[tilespmem:s23], [sflag:$0x3] =	stream.indirect.gather [hbm4b:s4+s10], $0x20, s13, s10, $0xb8;
	[tilespmem:$0x1E400] =	vst v63  }
0x51: {  	s14 =	sadd.s32 $0x900, s5  }
0x52: {  	[tilespmem:s24], [sflag:$0x3] =	stream.indirect.gather [hbm4b:s4+s10], $0x20, s14, s10, $0xb8;
	[tilespmem:$0x1E400] =	vst v63  }
0x53: {  	s12 =	sadd.s32 $0x980, s5  }
0x54: {  	[tilespmem:s25], [sflag:$0x3] =	stream.indirect.gather [hbm4b:s4+s10], $0x20, s12, s10, $0xb8;
	[tilespmem:$0x1E400] =	vst v63  }
0x55: {  	s13 =	sadd.s32 $0xA00, s5  }
0x56: {  	[tilespmem:s26], [sflag:$0x3] =	stream.indirect.gather [hbm4b:s4+s10], $0x20, s13, s10, $0xb8;
	[tilespmem:$0x1E400] =	vst v63  }
0x57: {  	s14 =	sadd.s32 $0xA80, s5  }
0x58: {  	[tilespmem:s28], [sflag:$0x3] =	stream.indirect.gather [hbm4b:s4+s10], $0x20, s14, s10, $0xb8;
	[tilespmem:$0x1E400] =	vst v63  }
0x59: {  	s12 =	sadd.s32 $0xB00, s5  }
0x5a: {  	[tilespmem:s29], [sflag:$0x3] =	stream.indirect.gather [hbm4b:s4+s10], $0x20, s12, s10, $0xb8;
	[tilespmem:$0x1E400] =	vst v63  }
0x5b: {  	s13 =	sadd.s32 $0xB80, s5  }
0x5c: {  	[tilespmem:s30], [sflag:$0x3] =	stream.indirect.gather [hbm4b:s4+s10], $0x20, s13, s10, $0xb8;
	[tilespmem:$0x1E400] =	vst v63  }
0x5d: {  	_ =	swait.ge [sflag:s31], $0x8000  }
0x5e: {  	[sflag:s31] =	ssyncset.done $0x0  }
.Ltmp3:
0x5f: {  	s14 =	sadd.s32 s8, s2;
	[sflag:s31] =	ssyncadd.s32 $0xFFFF8000;
	(pc) =	sbr.rel .LBB2_2-.Ltmp3, $4  }
0x60: {  	[hbm4b:s14+s20] =	stream.strided.scatter [tilespmem:s1], [sflag:$0x4], $0x8000, s10, s20, $0x38;
	[tilespmem:$0x1E400] =	vst v63  }
0x61: {  	_ =	swait.ge [sflag:s9], $0x8000  }
0x62: {  	s7 =	sadd.s32 $0xC000, s7;
	s6 =	sadd.s32 $0x3000, s6;
	[sflag:s9] =	ssyncset.done $0x0  }
0x63: {  	s3 =	sadd.s32 $0x3, s3;
	s8 =	sadd.s32 $0xC000, s8;
	[sflag:s9] =	ssyncadd.s32 $0xFFFF8000  }
.LBB2_5:
0x64: {  	_ =	sfence.sel $0x180000  }
0x65: {  	[bflag:$0x0] =	sbarrier.arrive $0xFFFF  }
0x66: {  	_ =	strace $0x90000047  }
0x67: {  	s0 =	stileid.u32;
	[bflag:$0x2] =	sbarrier.arrive $0xFFFF  }
0x68: {  	p0 =	sne.s32 s0, $0x0;
	s0 =	rddreg [dreg:$0x3]  }
0x69: {  	s0 =	sadd.s32 @!p0 $0x100000, s0  }
0x6a: {  	[sflag:s0] =	ssyncadd.tile.s32 @!p0 $0x1;
	_ =	shalt  }
.Lfunc_end2:
_tile_overlayer_lowered:
.L_overlay_start_2:
0x6b: {  	(tag) =	ssettag $0x2  }
0x6c: {  	s0 =	rddreg [dreg:$0x0];
	s2 =	stileid.u32  }
0x6d: {  	s1 =	rddreg [dreg:$0x1];
	p0 =	sne.s32 s2, $0x0  }
0x6e: {  	s3 =	rddreg [dreg:$0x2];
	[bflag:$0x3] =	sbarrier.arrive $0xFFFF;
	s2 =	simm.s32 @!p0 $0x1C04  }
0x6f: {  	[timem:s3], [sflag:s2] =	dma.local @!p0 [hbm:s0], s1  }
0x70: {  	s0 =	simm.s32 @!p0 $0x4  }
0x71: {  	_ =	swait.ge @!p0 [sflag:s0], s1  }
0x72: {  	s1 =	ssub.s32 @!p0 $0x0, s1;
	[sflag:s0] =	ssyncset.done @!p0 $0x0  }
0x73: {  	[sflag:s0] =	ssyncadd.s32 @!p0 s1  }
0x74: {  	[bflag:$0x3] =	sbarrier.arrive $0xFFFF  }
0x75: {  	_ =	shalt  }

</sc_bundles>
